<compile_context>
chip_gen: v7x
topology: tpu7x:2x2x1
jax: 0.10.2.dev20260603
libtpu: 0.0.44.dev20260713+nightly
codegen_flags: <defaults>
</compile_context>

<pallas_src>
import functools

import jax
import jax.numpy as jnp
from jax import lax
from jax.experimental import pallas as pl
from jax.experimental.pallas import tpu as pltpu
from jax.experimental.pallas import tpu_sc as plsc

_VOCAB = 1000000
_D = 32
_BATCH = 4096
_HIST = 200
_N = _BATCH * _HIST
_NC, _NS = 2, 16
_NW = _NC * _NS
_BTG = 2
_CB = 128 * _BTG
_NBLK = _N // _CB
_PER_W = _NBLK // _NW
_BPH = _BATCH // _CB
_NBUF = 4


def _make_gather():
  mesh = plsc.VectorSubcoreMesh(
      core_axis_name="c", subcore_axis_name="s",
      num_cores=_NC, num_subcores=_NS)

  @functools.partial(
      pl.kernel,
      mesh=mesh,
      out_type=jax.ShapeDtypeStruct((_HIST, 4, _BATCH * 8), jnp.float32),
      scratch_types=[
          pltpu.VMEM((_PER_W * _CB,), jnp.int32),
          pltpu.VMEM((_NBUF, _CB, _D), jnp.float32),
          pltpu.VMEM((_NBUF, _CB * _D), jnp.float32),
          pltpu.SemaphoreType.DMA,
          [pltpu.SemaphoreType.DMA] * _NBUF,
          [pltpu.SemaphoreType.DMA] * _NBUF,
      ],
      compiler_params=pltpu.CompilerParams(
          use_tc_tiling_on_sc=False, needs_layout_passes=False),
  )
  def gather(doc_hbm, tab_hbm, out_hbm, idx_v, rows_v, trans_v, isem,
             gsems, wsems):
    wid = lax.axis_index("s") * _NC + lax.axis_index("c")
    base_blk = wid * _PER_W

    lanes = lax.iota(jnp.int32, 16)
    base0 = jnp.where(lanes < 8, lanes * 128,
                      _CB * 8 + (lanes - 8) * 128)

    def blk_coords(k):
      bid = base_blk + k
      return bid // _BPH, (bid % _BPH) * _CB

    def start_gather(k, s):
      pltpu.async_copy(tab_hbm.at[idx_v.at[pl.ds(k * _CB, _CB)]],
                       rows_v.at[s], gsems[s])

    def wait_gather(s):
      pltpu.make_async_copy(tab_hbm.at[idx_v.at[pl.ds(0, _CB)]],
                            rows_v.at[s], gsems[s]).wait()

    def start_writes(k, s):
      h, off = blk_coords(k)
      for ft in range(4):
        pltpu.async_copy(
            trans_v.at[s, pl.ds(ft * _CB * 8, _CB * 8)],
            out_hbm.at[h, ft, pl.ds(off * 8, _CB * 8)], wsems[s])

    def wait_writes(s):
      for ft in range(4):
        pltpu.make_async_copy(
            trans_v.at[s, pl.ds(ft * _CB * 8, _CB * 8)],
            out_hbm.at[0, 0, pl.ds(0, _CB * 8)], wsems[s]).wait()

    def transpose(s):
      @plsc.parallel_loop(0, _CB, unroll=8)
      def _(r):
        ilo = base0 + ((r >> 7) * 1024 + (r & 127))
        plsc.store_scatter(trans_v.at[s], [ilo],
                           rows_v[s, r, pl.ds(0, 16)])
        plsc.store_scatter(trans_v.at[s], [ilo + _CB * 16],
                           rows_v[s, r, pl.ds(16, 16)])

    pltpu.async_copy(doc_hbm.at[pl.ds(base_blk * _CB, _PER_W * _CB)],
                     idx_v, isem).wait()
    for s in range(_NBUF):
      start_gather(s, s)

    def body(g, carry):
      for s in range(_NBUF):
        k = _NBUF * g + s
        wait_gather(s)

        @pl.when(g >= 1)
        def _():
          wait_writes(s)

        transpose(s)
        start_writes(k, s)

        @pl.when(g < _PER_W // _NBUF - 1)
        def _():
          start_gather(k + _NBUF, s)
      return carry

    lax.fori_loop(0, _PER_W // _NBUF, body, 0)
    for s in range(_NBUF):
      wait_writes(s)

  return gather


_gather = _make_gather()


def kernel(doc, table):
  doc_flat = doc.T.reshape(_N)
  tab_flat = lax.optimization_barrier(table.reshape(_VOCAB * _D))
  tab2 = tab_flat.reshape(_VOCAB, _D)
  out5 = _gather(doc_flat, tab2)
  out6 = out5.reshape(_HIST, 4, _BATCH // 128, 8, 128)
  return out6.transpose(2, 4, 0, 1, 3).reshape(_BATCH, _HIST, _D)

# --- scband reference (transcript-rebuilt; emitter-appended) ---
"""Pipeline reference for scband-embed-3066606649519 (READ-ONLY COPY).

The authoritative reference and input builder live on the scoring server;
editing this copy changes nothing except your own understanding.
"""

import jax, jax.numpy as jnp
import numpy as np

VOCAB = 1000000
EMBED_DIM = 32
BATCH = 4096
HIST = 200

def setup_inputs(seed: int = 0) -> dict:
    key = jax.random.key(seed)
    k1, k2 = jax.random.split(key)
    doc = jax.random.randint(k1, (BATCH, HIST), 0, VOCAB, dtype=jnp.int64) if jax.config.jax_enable_x64 else jax.random.randint(k1, (BATCH, HIST), 0, VOCAB, dtype=jnp.int32)
    table = jax.random.normal(k2, (VOCAB, EMBED_DIM), dtype=jnp.float32) * 0.02
    return {"doc": doc, "table": table}

def reference(doc, table):
    # Faithful to Embed.forward: doc = self.embed(doc)
    return jnp.take(table, doc, axis=0)

if __name__ == "__main__":
    import jax
    _d = setup_inputs()
    print(jax.jit(kernel)(*tuple(_d.values())))

</pallas_src>

<mosaic_0001>
#map = affine_map<(d0, d1) -> (0)>
#map1 = affine_map<(d0, d1) -> (0, 0)>
#map2 = affine_map<(d0, d1) -> (0, 0, 0)>
module attributes {stable_mosaic.version = 14 : i64} {
  func.func @gather(%arg0: i32, %arg1: i32, %arg2: memref<819200xi32, #tpu.memory_space<hbm>>, %arg3: memref<1000000x32xf32, #tpu.memory_space<hbm>>, %arg4: memref<200x4x32768xf32, #tpu.memory_space<hbm>>, %arg5: memref<25600xi32, #tpu.memory_space<vmem>>, %arg6: memref<4x256x32xf32, #tpu.memory_space<vmem>>, %arg7: memref<4x8192xf32, #tpu.memory_space<vmem>>, %arg8: memref<!tpu.dma_semaphore, #tpu.memory_space<semaphore_mem>>, %arg9: memref<!tpu.dma_semaphore, #tpu.memory_space<semaphore_mem>>, %arg10: memref<!tpu.dma_semaphore, #tpu.memory_space<semaphore_mem>>, %arg11: memref<!tpu.dma_semaphore, #tpu.memory_space<semaphore_mem>>, %arg12: memref<!tpu.dma_semaphore, #tpu.memory_space<semaphore_mem>>, %arg13: memref<!tpu.dma_semaphore, #tpu.memory_space<semaphore_mem>>, %arg14: memref<!tpu.dma_semaphore, #tpu.memory_space<semaphore_mem>>, %arg15: memref<!tpu.dma_semaphore, #tpu.memory_space<semaphore_mem>>, %arg16: memref<!tpu.dma_semaphore, #tpu.memory_space<semaphore_mem>>) attributes {dimension_semantics = [#tpu.dimension_semantics<core_parallel>, #tpu.dimension_semantics<subcore_parallel>], iteration_bounds = array<i64: 2, 16>, scalar_prefetch = 0 : i64, scratch_operands = 12 : i64, tpu.core_type = #tpu.core_type<sc_vector_subcore>, window_params = [{transform_indices = #map}, {transform_indices = #map1}, {transform_indices = #map2}]} {
    %mul3A = arith.constant 2 : i32
    %mul3A_0 = arith.muli %arg1, %mul3A : i32
    %add3A = arith.addi %mul3A_0, %arg0 : i32
    %mul3A_1 = arith.constant 100 : i32
    %mul3A_2 = arith.muli %add3A, %mul3A_1 : i32
    %iota3A = tpu.iota {dimensions = array<i32: 0>} : vector<16xi32>
    %lt3A = arith.constant 8 : i32
    %lt3A_3 = vector.broadcast %lt3A : i32 to vector<16xi32>
    %lt3A_4 = arith.cmpi slt, %iota3A, %lt3A_3 : vector<16xi32>
    %mul3A_5 = arith.constant 128 : i32
    %mul3A_6 = vector.broadcast %mul3A_5 : i32 to vector<16xi32>
    %mul3A_7 = arith.muli %iota3A, %mul3A_6 : vector<16xi32>
    %sub3A = arith.constant 8 : i32
    %sub3A_8 = vector.broadcast %sub3A : i32 to vector<16xi32>
    %sub3A_9 = arith.subi %iota3A, %sub3A_8 : vector<16xi32>
    %mul3A_10 = arith.constant 128 : i32
    %mul3A_11 = vector.broadcast %mul3A_10 : i32 to vector<16xi32>
    %mul3A_12 = arith.muli %sub3A_9, %mul3A_11 : vector<16xi32>
    %add3A_13 = arith.constant 2048 : i32
    %add3A_14 = vector.broadcast %add3A_13 : i32 to vector<16xi32>
    %add3A_15 = arith.addi %add3A_14, %mul3A_12 : vector<16xi32>
    %select_n3A = arith.select %lt3A_4, %mul3A_7, %add3A_15 : vector<16xi1>, vector<16xi32>
    %mul3A_16 = arith.constant 256 : i32
    %mul3A_17 = arith.muli %mul3A_2, %mul3A_16 : i32
    %dma_start3A = tpu.memref_slice %arg2[%mul3A_17] : memref<819200xi32, #tpu.memory_space<hbm>> -> memref<25600xi32, #tpu.memory_space<hbm>>
    %dma_start3A_18 = tpu.memref_slice %arg2[%mul3A_17] : memref<819200xi32, #tpu.memory_space<hbm>> -> memref<25600xi32, #tpu.memory_space<hbm>>
    tpu.enqueue_dma source(%dma_start3A_18 : memref<25600xi32, #tpu.memory_space<hbm>>) target(%arg5 : memref<25600xi32, #tpu.memory_space<vmem>>) target_semaphore(%arg8 : memref<!tpu.dma_semaphore, #tpu.memory_space<semaphore_mem>>)
    %dma_wait3A = tpu.memref_slice %arg2[%mul3A_17] : memref<819200xi32, #tpu.memory_space<hbm>> -> memref<25600xi32, #tpu.memory_space<hbm>>
    %dma_wait3A_19 = tpu.memref_slice %arg2[%mul3A_17] : memref<819200xi32, #tpu.memory_space<hbm>> -> memref<25600xi32, #tpu.memory_space<hbm>>
    tpu.wait_dma2 semaphore(%arg8 : memref<!tpu.dma_semaphore, #tpu.memory_space<semaphore_mem>>) src(%dma_wait3A_19 : memref<25600xi32, #tpu.memory_space<hbm>>) dst(%arg5 : memref<25600xi32, #tpu.memory_space<vmem>>)
    %dma_start3A_20 = arith.constant 0 : i32
    %dma_start3A_21 = arith.constant 0 : i32
    %dma_start3A_22 = arith.constant 0 : i32
    %dma_start3A_23 = tpu.memref_slice %arg6[%dma_start3A_20, %dma_start3A_21, %dma_start3A_22] : memref<4x256x32xf32, #tpu.memory_space<vmem>> -> memref<1x256x32xf32, #tpu.memory_space<vmem>>
    %dma_start3A_24 = tpu.memref_squeeze %dma_start3A_23 : memref<1x256x32xf32, #tpu.memory_space<vmem>> -> memref<256x32xf32, #tpu.memory_space<vmem>>
    %dma_start3A_25 = arith.constant 0 : i32
    %dma_start3A_26 = tpu.memref_slice %arg5[%dma_start3A_25] : memref<25600xi32, #tpu.memory_space<vmem>> -> memref<256xi32, #tpu.memory_space<vmem>>
    %dma_start3A_27 = arith.constant 0 : i32
    %dma_start3A_28 = arith.constant 0 : i32
    %dma_start3A_29 = tpu.memref_slice %arg3[%dma_start3A_27, %dma_start3A_28] : memref<1000000x32xf32, #tpu.memory_space<hbm>> -> memref<1000000x32xf32, #tpu.memory_space<hbm>>
    tpu.enqueue_indirect_dma source(%dma_start3A_29 : memref<1000000x32xf32, #tpu.memory_space<hbm>>) target(%dma_start3A_24 : memref<256x32xf32, #tpu.memory_space<vmem>>) offsets(%dma_start3A_26 : memref<256xi32, #tpu.memory_space<vmem>>) semaphore(%arg9 : memref<!tpu.dma_semaphore, #tpu.memory_space<semaphore_mem>>)
    %dma_start3A_30 = arith.constant 1 : i32
    %dma_start3A_31 = arith.constant 0 : i32
    %dma_start3A_32 = arith.constant 0 : i32
    %dma_start3A_33 = tpu.memref_slice %arg6[%dma_start3A_30, %dma_start3A_31, %dma_start3A_32] : memref<4x256x32xf32, #tpu.memory_space<vmem>> -> memref<1x256x32xf32, #tpu.memory_space<vmem>>
    %dma_start3A_34 = tpu.memref_squeeze %dma_start3A_33 : memref<1x256x32xf32, #tpu.memory_space<vmem>> -> memref<256x32xf32, #tpu.memory_space<vmem>>
    %dma_start3A_35 = arith.constant 256 : i32
    %dma_start3A_36 = tpu.memref_slice %arg5[%dma_start3A_35] : memref<25600xi32, #tpu.memory_space<vmem>> -> memref<256xi32, #tpu.memory_space<vmem>>
    %dma_start3A_37 = arith.constant 0 : i32
    %dma_start3A_38 = arith.constant 0 : i32
    %dma_start3A_39 = tpu.memref_slice %arg3[%dma_start3A_37, %dma_start3A_38] : memref<1000000x32xf32, #tpu.memory_space<hbm>> -> memref<1000000x32xf32, #tpu.memory_space<hbm>>
    tpu.enqueue_indirect_dma source(%dma_start3A_39 : memref<1000000x32xf32, #tpu.memory_space<hbm>>) target(%dma_start3A_34 : memref<256x32xf32, #tpu.memory_space<vmem>>) offsets(%dma_start3A_36 : memref<256xi32, #tpu.memory_space<vmem>>) semaphore(%arg10 : memref<!tpu.dma_semaphore, #tpu.memory_space<semaphore_mem>>)
    %dma_start3A_40 = arith.constant 2 : i32
    %dma_start3A_41 = arith.constant 0 : i32
    %dma_start3A_42 = arith.constant 0 : i32
    %dma_start3A_43 = tpu.memref_slice %arg6[%dma_start3A_40, %dma_start3A_41, %dma_start3A_42] : memref<4x256x32xf32, #tpu.memory_space<vmem>> -> memref<1x256x32xf32, #tpu.memory_space<vmem>>
    %dma_start3A_44 = tpu.memref_squeeze %dma_start3A_43 : memref<1x256x32xf32, #tpu.memory_space<vmem>> -> memref<256x32xf32, #tpu.memory_space<vmem>>
    %dma_start3A_45 = arith.constant 512 : i32
    %dma_start3A_46 = tpu.memref_slice %arg5[%dma_start3A_45] : memref<25600xi32, #tpu.memory_space<vmem>> -> memref<256xi32, #tpu.memory_space<vmem>>
    %dma_start3A_47 = arith.constant 0 : i32
    %dma_start3A_48 = arith.constant 0 : i32
    %dma_start3A_49 = tpu.memref_slice %arg3[%dma_start3A_47, %dma_start3A_48] : memref<1000000x32xf32, #tpu.memory_space<hbm>> -> memref<1000000x32xf32, #tpu.memory_space<hbm>>
    tpu.enqueue_indirect_dma source(%dma_start3A_49 : memref<1000000x32xf32, #tpu.memory_space<hbm>>) target(%dma_start3A_44 : memref<256x32xf32, #tpu.memory_space<vmem>>) offsets(%dma_start3A_46 : memref<256xi32, #tpu.memory_space<vmem>>) semaphore(%arg11 : memref<!tpu.dma_semaphore, #tpu.memory_space<semaphore_mem>>)
    %dma_start3A_50 = arith.constant 3 : i32
    %dma_start3A_51 = arith.constant 0 : i32
    %dma_start3A_52 = arith.constant 0 : i32
    %dma_start3A_53 = tpu.memref_slice %arg6[%dma_start3A_50, %dma_start3A_51, %dma_start3A_52] : memref<4x256x32xf32, #tpu.memory_space<vmem>> -> memref<1x256x32xf32, #tpu.memory_space<vmem>>
    %dma_start3A_54 = tpu.memref_squeeze %dma_start3A_53 : memref<1x256x32xf32, #tpu.memory_space<vmem>> -> memref<256x32xf32, #tpu.memory_space<vmem>>
    %dma_start3A_55 = arith.constant 768 : i32
    %dma_start3A_56 = tpu.memref_slice %arg5[%dma_start3A_55] : memref<25600xi32, #tpu.memory_space<vmem>> -> memref<256xi32, #tpu.memory_space<vmem>>
    %dma_start3A_57 = arith.constant 0 : i32
    %dma_start3A_58 = arith.constant 0 : i32
    %dma_start3A_59 = tpu.memref_slice %arg3[%dma_start3A_57, %dma_start3A_58] : memref<1000000x32xf32, #tpu.memory_space<hbm>> -> memref<1000000x32xf32, #tpu.memory_space<hbm>>
    tpu.enqueue_indirect_dma source(%dma_start3A_59 : memref<1000000x32xf32, #tpu.memory_space<hbm>>) target(%dma_start3A_54 : memref<256x32xf32, #tpu.memory_space<vmem>>) offsets(%dma_start3A_56 : memref<256xi32, #tpu.memory_space<vmem>>) semaphore(%arg12 : memref<!tpu.dma_semaphore, #tpu.memory_space<semaphore_mem>>)
    %scan3A = arith.constant 0 : i32
    %scan3A_60 = arith.constant 0 : i32
    %scan3A_61 = arith.constant 25 : i32
    %scan3A_62 = arith.addi %scan3A_60, %scan3A_61 : i32
    %scan3A_63 = arith.constant 1 : i32
    scf.for %scan3A_305 = %scan3A_60 to %scan3A_62 step %scan3A_63  : i32 {
      %mul3A_306 = arith.constant 4 : i32
      %mul3A_307 = arith.muli %mul3A_306, %scan3A_305 : i32
      %add3A_308 = arith.constant 0 : i32
      %add3A_309 = arith.addi %mul3A_307, %add3A_308 : i32
      %dma_wait3A_310 = arith.constant 0 : i32
      %dma_wait3A_311 = arith.constant 0 : i32
      %dma_wait3A_312 = arith.constant 0 : i32
      %dma_wait3A_313 = tpu.memref_slice %arg6[%dma_wait3A_310, %dma_wait3A_311, %dma_wait3A_312] : memref<4x256x32xf32, #tpu.memory_space<vmem>> -> memref<1x256x32xf32, #tpu.memory_space<vmem>>
      %dma_wait3A_314 = tpu.memref_squeeze %dma_wait3A_313 : memref<1x256x32xf32, #tpu.memory_space<vmem>> -> memref<256x32xf32, #tpu.memory_space<vmem>>
      %dma_wait3A_315 = arith.constant 0 : i32
      %dma_wait3A_316 = tpu.memref_slice %arg5[%dma_wait3A_315] : memref<25600xi32, #tpu.memory_space<vmem>> -> memref<256xi32, #tpu.memory_space<vmem>>
      %dma_wait3A_317 = arith.constant 0 : i32
      %dma_wait3A_318 = arith.constant 0 : i32
      %dma_wait3A_319 = tpu.memref_slice %arg3[%dma_wait3A_317, %dma_wait3A_318] : memref<1000000x32xf32, #tpu.memory_space<hbm>> -> memref<1000000x32xf32, #tpu.memory_space<hbm>>
      tpu.wait_indirect_dma semaphore(%arg9 : memref<!tpu.dma_semaphore, #tpu.memory_space<semaphore_mem>>) src(%dma_wait3A_319 : memref<1000000x32xf32, #tpu.memory_space<hbm>>) dst(%dma_wait3A_314 : memref<256x32xf32, #tpu.memory_space<vmem>>)
      %ge3A = arith.constant 1 : i32
      %ge3A_320 = arith.cmpi sge, %scan3A_305, %ge3A : i32
      %convert_element_type3A = arith.extui %ge3A_320 : i1 to i32
      %cond3A = arith.constant 0 : i32
      %cond3A_321 = arith.cmpi ne, %convert_element_type3A, %cond3A : i32
      scf.if %cond3A_321 {
        %dma_wait3A_799 = arith.constant 0 : i32
        %dma_wait3A_800 = arith.constant 0 : i32
        %dma_wait3A_801 = arith.constant 0 : i32
        %dma_wait3A_802 = arith.constant 0 : i32
        %dma_wait3A_803 = tpu.memref_slice %arg7[%dma_wait3A_799, %dma_wait3A_802] : memref<4x8192xf32, #tpu.memory_space<vmem>> -> memref<1x2048xf32, #tpu.memory_space<vmem>>
        %dma_wait3A_804 = tpu.memref_squeeze %dma_wait3A_803 : memref<1x2048xf32, #tpu.memory_space<vmem>> -> memref<2048xf32, #tpu.memory_space<vmem>>
        %dma_wait3A_805 = arith.constant 0 : i32
        %dma_wait3A_806 = tpu.memref_slice %arg4[%dma_wait3A_800, %dma_wait3A_801, %dma_wait3A_805] : memref<200x4x32768xf32, #tpu.memory_space<hbm>> -> memref<1x1x2048xf32, #tpu.memory_space<hbm>>
        %dma_wait3A_807 = tpu.memref_squeeze %dma_wait3A_806 : memref<1x1x2048xf32, #tpu.memory_space<hbm>> -> memref<2048xf32, #tpu.memory_space<hbm>>
        %dma_wait3A_808 = arith.constant 0 : i32
        %dma_wait3A_809 = tpu.memref_slice %arg4[%dma_wait3A_800, %dma_wait3A_801, %dma_wait3A_808] : memref<200x4x32768xf32, #tpu.memory_space<hbm>> -> memref<1x1x2048xf32, #tpu.memory_space<hbm>>
        %dma_wait3A_810 = tpu.memref_squeeze %dma_wait3A_809 : memref<1x1x2048xf32, #tpu.memory_space<hbm>> -> memref<2048xf32, #tpu.memory_space<hbm>>
        %dma_wait3A_811 = arith.constant 0 : i32
        %dma_wait3A_812 = tpu.memref_slice %arg7[%dma_wait3A_799, %dma_wait3A_811] : memref<4x8192xf32, #tpu.memory_space<vmem>> -> memref<1x2048xf32, #tpu.memory_space<vmem>>
        %dma_wait3A_813 = tpu.memref_squeeze %dma_wait3A_812 : memref<1x2048xf32, #tpu.memory_space<vmem>> -> memref<2048xf32, #tpu.memory_space<vmem>>
        tpu.wait_dma2 semaphore(%arg13 : memref<!tpu.dma_semaphore, #tpu.memory_space<semaphore_mem>>) src(%dma_wait3A_813 : memref<2048xf32, #tpu.memory_space<vmem>>) dst(%dma_wait3A_810 : memref<2048xf32, #tpu.memory_space<hbm>>)
        %dma_wait3A_814 = arith.constant 0 : i32
        %dma_wait3A_815 = arith.constant 0 : i32
        %dma_wait3A_816 = arith.constant 0 : i32
        %dma_wait3A_817 = arith.constant 2048 : i32
        %dma_wait3A_818 = tpu.memref_slice %arg7[%dma_wait3A_814, %dma_wait3A_817] : memref<4x8192xf32, #tpu.memory_space<vmem>> -> memref<1x2048xf32, #tpu.memory_space<vmem>>
        %dma_wait3A_819 = tpu.memref_squeeze %dma_wait3A_818 : memref<1x2048xf32, #tpu.memory_space<vmem>> -> memref<2048xf32, #tpu.memory_space<vmem>>
        %dma_wait3A_820 = arith.constant 0 : i32
        %dma_wait3A_821 = tpu.memref_slice %arg4[%dma_wait3A_815, %dma_wait3A_816, %dma_wait3A_820] : memref<200x4x32768xf32, #tpu.memory_space<hbm>> -> memref<1x1x2048xf32, #tpu.memory_space<hbm>>
        %dma_wait3A_822 = tpu.memref_squeeze %dma_wait3A_821 : memref<1x1x2048xf32, #tpu.memory_space<hbm>> -> memref<2048xf32, #tpu.memory_space<hbm>>
        %dma_wait3A_823 = arith.constant 0 : i32
        %dma_wait3A_824 = tpu.memref_slice %arg4[%dma_wait3A_815, %dma_wait3A_816, %dma_wait3A_823] : memref<200x4x32768xf32, #tpu.memory_space<hbm>> -> memref<1x1x2048xf32, #tpu.memory_space<hbm>>
        %dma_wait3A_825 = tpu.memref_squeeze %dma_wait3A_824 : memref<1x1x2048xf32, #tpu.memory_space<hbm>> -> memref<2048xf32, #tpu.memory_space<hbm>>
        %dma_wait3A_826 = arith.constant 2048 : i32
        %dma_wait3A_827 = tpu.memref_slice %arg7[%dma_wait3A_814, %dma_wait3A_826] : memref<4x8192xf32, #tpu.memory_space<vmem>> -> memref<1x2048xf32, #tpu.memory_space<vmem>>
        %dma_wait3A_828 = tpu.memref_squeeze %dma_wait3A_827 : memref<1x2048xf32, #tpu.memory_space<vmem>> -> memref<2048xf32, #tpu.memory_space<vmem>>
        tpu.wait_dma2 semaphore(%arg13 : memref<!tpu.dma_semaphore, #tpu.memory_space<semaphore_mem>>) src(%dma_wait3A_828 : memref<2048xf32, #tpu.memory_space<vmem>>) dst(%dma_wait3A_825 : memref<2048xf32, #tpu.memory_space<hbm>>)
        %dma_wait3A_829 = arith.constant 0 : i32
        %dma_wait3A_830 = arith.constant 0 : i32
        %dma_wait3A_831 = arith.constant 0 : i32
        %dma_wait3A_832 = arith.constant 4096 : i32
        %dma_wait3A_833 = tpu.memref_slice %arg7[%dma_wait3A_829, %dma_wait3A_832] : memref<4x8192xf32, #tpu.memory_space<vmem>> -> memref<1x2048xf32, #tpu.memory_space<vmem>>
        %dma_wait3A_834 = tpu.memref_squeeze %dma_wait3A_833 : memref<1x2048xf32, #tpu.memory_space<vmem>> -> memref<2048xf32, #tpu.memory_space<vmem>>
        %dma_wait3A_835 = arith.constant 0 : i32
        %dma_wait3A_836 = tpu.memref_slice %arg4[%dma_wait3A_830, %dma_wait3A_831, %dma_wait3A_835] : memref<200x4x32768xf32, #tpu.memory_space<hbm>> -> memref<1x1x2048xf32, #tpu.memory_space<hbm>>
        %dma_wait3A_837 = tpu.memref_squeeze %dma_wait3A_836 : memref<1x1x2048xf32, #tpu.memory_space<hbm>> -> memref<2048xf32, #tpu.memory_space<hbm>>
        %dma_wait3A_838 = arith.constant 0 : i32
        %dma_wait3A_839 = tpu.memref_slice %arg4[%dma_wait3A_830, %dma_wait3A_831, %dma_wait3A_838] : memref<200x4x32768xf32, #tpu.memory_space<hbm>> -> memref<1x1x2048xf32, #tpu.memory_space<hbm>>
        %dma_wait3A_840 = tpu.memref_squeeze %dma_wait3A_839 : memref<1x1x2048xf32, #tpu.memory_space<hbm>> -> memref<2048xf32, #tpu.memory_space<hbm>>
        %dma_wait3A_841 = arith.constant 4096 : i32
        %dma_wait3A_842 = tpu.memref_slice %arg7[%dma_wait3A_829, %dma_wait3A_841] : memref<4x8192xf32, #tpu.memory_space<vmem>> -> memref<1x2048xf32, #tpu.memory_space<vmem>>
        %dma_wait3A_843 = tpu.memref_squeeze %dma_wait3A_842 : memref<1x2048xf32, #tpu.memory_space<vmem>> -> memref<2048xf32, #tpu.memory_space<vmem>>
        tpu.wait_dma2 semaphore(%arg13 : memref<!tpu.dma_semaphore, #tpu.memory_space<semaphore_mem>>) src(%dma_wait3A_843 : memref<2048xf32, #tpu.memory_space<vmem>>) dst(%dma_wait3A_840 : memref<2048xf32, #tpu.memory_space<hbm>>)
        %dma_wait3A_844 = arith.constant 0 : i32
        %dma_wait3A_845 = arith.constant 0 : i32
        %dma_wait3A_846 = arith.constant 0 : i32
        %dma_wait3A_847 = arith.constant 6144 : i32
        %dma_wait3A_848 = tpu.memref_slice %arg7[%dma_wait3A_844, %dma_wait3A_847] : memref<4x8192xf32, #tpu.memory_space<vmem>> -> memref<1x2048xf32, #tpu.memory_space<vmem>>
        %dma_wait3A_849 = tpu.memref_squeeze %dma_wait3A_848 : memref<1x2048xf32, #tpu.memory_space<vmem>> -> memref<2048xf32, #tpu.memory_space<vmem>>
        %dma_wait3A_850 = arith.constant 0 : i32
        %dma_wait3A_851 = tpu.memref_slice %arg4[%dma_wait3A_845, %dma_wait3A_846, %dma_wait3A_850] : memref<200x4x32768xf32, #tpu.memory_space<hbm>> -> memref<1x1x2048xf32, #tpu.memory_space<hbm>>
        %dma_wait3A_852 = tpu.memref_squeeze %dma_wait3A_851 : memref<1x1x2048xf32, #tpu.memory_space<hbm>> -> memref<2048xf32, #tpu.memory_space<hbm>>
        %dma_wait3A_853 = arith.constant 0 : i32
        %dma_wait3A_854 = tpu.memref_slice %arg4[%dma_wait3A_845, %dma_wait3A_846, %dma_wait3A_853] : memref<200x4x32768xf32, #tpu.memory_space<hbm>> -> memref<1x1x2048xf32, #tpu.memory_space<hbm>>
        %dma_wait3A_855 = tpu.memref_squeeze %dma_wait3A_854 : memref<1x1x2048xf32, #tpu.memory_space<hbm>> -> memref<2048xf32, #tpu.memory_space<hbm>>
        %dma_wait3A_856 = arith.constant 6144 : i32
        %dma_wait3A_857 = tpu.memref_slice %arg7[%dma_wait3A_844, %dma_wait3A_856] : memref<4x8192xf32, #tpu.memory_space<vmem>> -> memref<1x2048xf32, #tpu.memory_space<vmem>>
        %dma_wait3A_858 = tpu.memref_squeeze %dma_wait3A_857 : memref<1x2048xf32, #tpu.memory_space<vmem>> -> memref<2048xf32, #tpu.memory_space<vmem>>
        tpu.wait_dma2 semaphore(%arg13 : memref<!tpu.dma_semaphore, #tpu.memory_space<semaphore_mem>>) src(%dma_wait3A_858 : memref<2048xf32, #tpu.memory_space<vmem>>) dst(%dma_wait3A_855 : memref<2048xf32, #tpu.memory_space<hbm>>)
      } else {
      }
      %parallel_loop3A = arith.constant 0 : i32
      %parallel_loop3A_322 = arith.constant 256 : i32
      %parallel_loop3A_323 = arith.constant 1 : i32
      scf.for %parallel_loop3A_799 = %parallel_loop3A to %parallel_loop3A_322 step %parallel_loop3A_323  : i32 {
        %parallel_loop3A_800 = arith.constant 7 : i32
        %parallel_loop3A_801 = arith.shrsi %parallel_loop3A_799, %parallel_loop3A_800 : i32
        %parallel_loop3A_802 = arith.constant 1024 : i32
        %parallel_loop3A_803 = arith.muli %parallel_loop3A_801, %parallel_loop3A_802 : i32
        %parallel_loop3A_804 = arith.constant 127 : i32
        %parallel_loop3A_805 = arith.andi %parallel_loop3A_799, %parallel_loop3A_804 : i32
        %parallel_loop3A_806 = arith.addi %parallel_loop3A_803, %parallel_loop3A_805 : i32
        %parallel_loop3A_807 = vector.broadcast %parallel_loop3A_806 : i32 to vector<16xi32>
        %parallel_loop3A_808 = arith.addi %select_n3A, %parallel_loop3A_807 : vector<16xi32>
        %parallel_loop3A_809 = arith.constant 0 : i32
        %parallel_loop3A_810 = arith.index_cast %parallel_loop3A_809 : i32 to index
        %parallel_loop3A_811 = arith.index_cast %parallel_loop3A_799 : i32 to index
        %parallel_loop3A_812 = arith.constant 0 : index
        %parallel_loop3A_813 = tpu.vector_load %arg6[%parallel_loop3A_810, %parallel_loop3A_811, %parallel_loop3A_812] {strides = array<i32>} : memref<4x256x32xf32, #tpu.memory_space<vmem>>, vector<16xf32>,
        %parallel_loop3A_814 = arith.constant 0 : i32
        %parallel_loop3A_815 = arith.constant 0 : i32
        %parallel_loop3A_816 = tpu.memref_slice %arg7[%parallel_loop3A_814, %parallel_loop3A_815] : memref<4x8192xf32, #tpu.memory_space<vmem>> -> memref<1x8192xf32, #tpu.memory_space<vmem>>
        %parallel_loop3A_817 = tpu.memref_squeeze %parallel_loop3A_816 : memref<1x8192xf32, #tpu.memory_space<vmem>> -> memref<8192xf32, #tpu.memory_space<vmem>>
        tpu.vector_store_idx %parallel_loop3A_817[%parallel_loop3A_808], %parallel_loop3A_813 : memref<8192xf32, #tpu.memory_space<vmem>>[vector<16xi32>], vector<16xf32>,
        %parallel_loop3A_818 = arith.constant 4096 : i32
        %parallel_loop3A_819 = vector.broadcast %parallel_loop3A_818 : i32 to vector<16xi32>
        %parallel_loop3A_820 = arith.addi %parallel_loop3A_808, %parallel_loop3A_819 : vector<16xi32>
        %parallel_loop3A_821 = arith.constant 0 : i32
        %parallel_loop3A_822 = arith.index_cast %parallel_loop3A_821 : i32 to index
        %parallel_loop3A_823 = arith.index_cast %parallel_loop3A_799 : i32 to index
        %parallel_loop3A_824 = arith.constant 16 : index
        %parallel_loop3A_825 = tpu.vector_load %arg6[%parallel_loop3A_822, %parallel_loop3A_823, %parallel_loop3A_824] {strides = array<i32>} : memref<4x256x32xf32, #tpu.memory_space<vmem>>, vector<16xf32>,
        %parallel_loop3A_826 = arith.constant 0 : i32
        %parallel_loop3A_827 = arith.constant 0 : i32
        %parallel_loop3A_828 = tpu.memref_slice %arg7[%parallel_loop3A_826, %parallel_loop3A_827] : memref<4x8192xf32, #tpu.memory_space<vmem>> -> memref<1x8192xf32, #tpu.memory_space<vmem>>
        %parallel_loop3A_829 = tpu.memref_squeeze %parallel_loop3A_828 : memref<1x8192xf32, #tpu.memory_space<vmem>> -> memref<8192xf32, #tpu.memory_space<vmem>>
        tpu.vector_store_idx %parallel_loop3A_829[%parallel_loop3A_820], %parallel_loop3A_825 : memref<8192xf32, #tpu.memory_space<vmem>>[vector<16xi32>], vector<16xf32>,
      } {sc.loop_unroll_factor = 8 : i64, sc.parallel_access}
      %add3A_324 = arith.addi %mul3A_2, %add3A_309 : i32
      %jit3A = arith.constant 16 : i32
      %div3A = arith.divsi %add3A_324, %jit3A : i32
      %sign3A = arith.constant 0 : i32
      %sign3A_325 = arith.cmpi sgt, %add3A_324, %sign3A : i32
      %sign3A_326 = arith.extui %sign3A_325 : i1 to i32
      %sign3A_327 = arith.constant 0 : i32
      %sign3A_328 = arith.cmpi slt, %add3A_324, %sign3A_327 : i32
      %sign3A_329 = arith.extui %sign3A_328 : i1 to i32
      %sign3A_330 = arith.subi %sign3A_326, %sign3A_329 : i32
      %sign3A_331 = arith.constant 0 : i32
      %sign3A_332 = arith.cmpi sgt, %jit3A, %sign3A_331 : i32
      %sign3A_333 = arith.extui %sign3A_332 : i1 to i32
      %sign3A_334 = arith.constant 0 : i32
      %sign3A_335 = arith.cmpi slt, %jit3A, %sign3A_334 : i32
      %sign3A_336 = arith.extui %sign3A_335 : i1 to i32
      %sign3A_337 = arith.subi %sign3A_333, %sign3A_336 : i32
      %ne3A = arith.cmpi ne, %sign3A_330, %sign3A_337 : i32
      %rem3A = arith.remsi %add3A_324, %jit3A : i32
      %ne3A_338 = arith.constant 0 : i32
      %ne3A_339 = arith.cmpi ne, %rem3A, %ne3A_338 : i32
      %and3A = arith.andi %ne3A, %ne3A_339 : i1
      %sub3A_340 = arith.constant 1 : i32
      %sub3A_341 = arith.subi %div3A, %sub3A_340 : i32
      %select_n3A_342 = arith.select %and3A, %sub3A_341, %div3A : i32
      %jit3A_343 = arith.constant 16 : i32
      %eq3A = arith.constant 0 : i32
      %eq3A_344 = arith.cmpi eq, %jit3A_343, %eq3A : i32
      %jit3A_345 = arith.constant 1 : i32
      %select_n3A_346 = arith.select %eq3A_344, %jit3A_345, %jit3A_343 : i32
      %rem3A_347 = arith.remsi %add3A_324, %select_n3A_346 : i32
      %ne3A_348 = arith.constant 0 : i32
      %ne3A_349 = arith.cmpi ne, %rem3A_347, %ne3A_348 : i32
      %lt3A_350 = arith.constant 0 : i32
      %lt3A_351 = arith.cmpi slt, %rem3A_347, %lt3A_350 : i32
      %lt3A_352 = arith.constant 0 : i32
      %lt3A_353 = arith.cmpi slt, %select_n3A_346, %lt3A_352 : i32
      %ne3A_354 = arith.xori %lt3A_351, %lt3A_353 : i1
      %and3A_355 = arith.andi %ne3A_354, %ne3A_349 : i1
      %add3A_356 = arith.addi %rem3A_347, %select_n3A_346 : i32
      %select_n3A_357 = arith.select %and3A_355, %add3A_356, %rem3A_347 : i32
      %mul3A_358 = arith.constant 256 : i32
      %mul3A_359 = arith.muli %select_n3A_357, %mul3A_358 : i32
      %mul3A_360 = arith.constant 8 : i32
      %mul3A_361 = arith.muli %mul3A_359, %mul3A_360 : i32
      %dma_start3A_362 = arith.constant 0 : i32
      %dma_start3A_363 = arith.constant 0 : i32
      %dma_start3A_364 = arith.constant 0 : i32
      %dma_start3A_365 = tpu.memref_slice %arg7[%dma_start3A_362, %dma_start3A_364] : memref<4x8192xf32, #tpu.memory_space<vmem>> -> memref<1x2048xf32, #tpu.memory_space<vmem>>
      %dma_start3A_366 = tpu.memref_squeeze %dma_start3A_365 : memref<1x2048xf32, #tpu.memory_space<vmem>> -> memref<2048xf32, #tpu.memory_space<vmem>>
      %dma_start3A_367 = tpu.memref_slice %arg4[%select_n3A_342, %dma_start3A_363, %mul3A_361] : memref<200x4x32768xf32, #tpu.memory_space<hbm>> -> memref<1x1x2048xf32, #tpu.memory_space<hbm>>
      %dma_start3A_368 = tpu.memref_squeeze %dma_start3A_367 : memref<1x1x2048xf32, #tpu.memory_space<hbm>> -> memref<2048xf32, #tpu.memory_space<hbm>>
      %dma_start3A_369 = tpu.memref_slice %arg4[%select_n3A_342, %dma_start3A_363, %mul3A_361] : memref<200x4x32768xf32, #tpu.memory_space<hbm>> -> memref<1x1x2048xf32, #tpu.memory_space<hbm>>
      %dma_start3A_370 = tpu.memref_squeeze %dma_start3A_369 : memref<1x1x2048xf32, #tpu.memory_space<hbm>> -> memref<2048xf32, #tpu.memory_space<hbm>>
      %dma_start3A_371 = arith.constant 0 : i32
      %dma_start3A_372 = tpu.memref_slice %arg7[%dma_start3A_362, %dma_start3A_371] : memref<4x8192xf32, #tpu.memory_space<vmem>> -> memref<1x2048xf32, #tpu.memory_space<vmem>>
      %dma_start3A_373 = tpu.memref_squeeze %dma_start3A_372 : memref<1x2048xf32, #tpu.memory_space<vmem>> -> memref<2048xf32, #tpu.memory_space<vmem>>
      tpu.enqueue_dma source(%dma_start3A_373 : memref<2048xf32, #tpu.memory_space<vmem>>) target(%dma_start3A_370 : memref<2048xf32, #tpu.memory_space<hbm>>) target_semaphore(%arg13 : memref<!tpu.dma_semaphore, #tpu.memory_space<semaphore_mem>>)
      %mul3A_374 = arith.constant 8 : i32
      %mul3A_375 = arith.muli %mul3A_359, %mul3A_374 : i32
      %dma_start3A_376 = arith.constant 0 : i32
      %dma_start3A_377 = arith.constant 1 : i32
      %dma_start3A_378 = arith.constant 2048 : i32
      %dma_start3A_379 = tpu.memref_slice %arg7[%dma_start3A_376, %dma_start3A_378] : memref<4x8192xf32, #tpu.memory_space<vmem>> -> memref<1x2048xf32, #tpu.memory_space<vmem>>
      %dma_start3A_380 = tpu.memref_squeeze %dma_start3A_379 : memref<1x2048xf32, #tpu.memory_space<vmem>> -> memref<2048xf32, #tpu.memory_space<vmem>>
      %dma_start3A_381 = tpu.memref_slice %arg4[%select_n3A_342, %dma_start3A_377, %mul3A_375] : memref<200x4x32768xf32, #tpu.memory_space<hbm>> -> memref<1x1x2048xf32, #tpu.memory_space<hbm>>
      %dma_start3A_382 = tpu.memref_squeeze %dma_start3A_381 : memref<1x1x2048xf32, #tpu.memory_space<hbm>> -> memref<2048xf32, #tpu.memory_space<hbm>>
      %dma_start3A_383 = tpu.memref_slice %arg4[%select_n3A_342, %dma_start3A_377, %mul3A_375] : memref<200x4x32768xf32, #tpu.memory_space<hbm>> -> memref<1x1x2048xf32, #tpu.memory_space<hbm>>
      %dma_start3A_384 = tpu.memref_squeeze %dma_start3A_383 : memref<1x1x2048xf32, #tpu.memory_space<hbm>> -> memref<2048xf32, #tpu.memory_space<hbm>>
      %dma_start3A_385 = arith.constant 2048 : i32
      %dma_start3A_386 = tpu.memref_slice %arg7[%dma_start3A_376, %dma_start3A_385] : memref<4x8192xf32, #tpu.memory_space<vmem>> -> memref<1x2048xf32, #tpu.memory_space<vmem>>
      %dma_start3A_387 = tpu.memref_squeeze %dma_start3A_386 : memref<1x2048xf32, #tpu.memory_space<vmem>> -> memref<2048xf32, #tpu.memory_space<vmem>>
      tpu.enqueue_dma source(%dma_start3A_387 : memref<2048xf32, #tpu.memory_space<vmem>>) target(%dma_start3A_384 : memref<2048xf32, #tpu.memory_space<hbm>>) target_semaphore(%arg13 : memref<!tpu.dma_semaphore, #tpu.memory_space<semaphore_mem>>)
      %mul3A_388 = arith.constant 8 : i32
      %mul3A_389 = arith.muli %mul3A_359, %mul3A_388 : i32
      %dma_start3A_390 = arith.constant 0 : i32
      %dma_start3A_391 = arith.constant 2 : i32
      %dma_start3A_392 = arith.constant 4096 : i32
      %dma_start3A_393 = tpu.memref_slice %arg7[%dma_start3A_390, %dma_start3A_392] : memref<4x8192xf32, #tpu.memory_space<vmem>> -> memref<1x2048xf32, #tpu.memory_space<vmem>>
      %dma_start3A_394 = tpu.memref_squeeze %dma_start3A_393 : memref<1x2048xf32, #tpu.memory_space<vmem>> -> memref<2048xf32, #tpu.memory_space<vmem>>
      %dma_start3A_395 = tpu.memref_slice %arg4[%select_n3A_342, %dma_start3A_391, %mul3A_389] : memref<200x4x32768xf32, #tpu.memory_space<hbm>> -> memref<1x1x2048xf32, #tpu.memory_space<hbm>>
      %dma_start3A_396 = tpu.memref_squeeze %dma_start3A_395 : memref<1x1x2048xf32, #tpu.memory_space<hbm>> -> memref<2048xf32, #tpu.memory_space<hbm>>
      %dma_start3A_397 = tpu.memref_slice %arg4[%select_n3A_342, %dma_start3A_391, %mul3A_389] : memref<200x4x32768xf32, #tpu.memory_space<hbm>> -> memref<1x1x2048xf32, #tpu.memory_space<hbm>>
      %dma_start3A_398 = tpu.memref_squeeze %dma_start3A_397 : memref<1x1x2048xf32, #tpu.memory_space<hbm>> -> memref<2048xf32, #tpu.memory_space<hbm>>
      %dma_start3A_399 = arith.constant 4096 : i32
      %dma_start3A_400 = tpu.memref_slice %arg7[%dma_start3A_390, %dma_start3A_399] : memref<4x8192xf32, #tpu.memory_space<vmem>> -> memref<1x2048xf32, #tpu.memory_space<vmem>>
      %dma_start3A_401 = tpu.memref_squeeze %dma_start3A_400 : memref<1x2048xf32, #tpu.memory_space<vmem>> -> memref<2048xf32, #tpu.memory_space<vmem>>
      tpu.enqueue_dma source(%dma_start3A_401 : memref<2048xf32, #tpu.memory_space<vmem>>) target(%dma_start3A_398 : memref<2048xf32, #tpu.memory_space<hbm>>) target_semaphore(%arg13 : memref<!tpu.dma_semaphore, #tpu.memory_space<semaphore_mem>>)
      %mul3A_402 = arith.constant 8 : i32
      %mul3A_403 = arith.muli %mul3A_359, %mul3A_402 : i32
      %dma_start3A_404 = arith.constant 0 : i32
      %dma_start3A_405 = arith.constant 3 : i32
      %dma_start3A_406 = arith.constant 6144 : i32
      %dma_start3A_407 = tpu.memref_slice %arg7[%dma_start3A_404, %dma_start3A_406] : memref<4x8192xf32, #tpu.memory_space<vmem>> -> memref<1x2048xf32, #tpu.memory_space<vmem>>
      %dma_start3A_408 = tpu.memref_squeeze %dma_start3A_407 : memref<1x2048xf32, #tpu.memory_space<vmem>> -> memref<2048xf32, #tpu.memory_space<vmem>>
      %dma_start3A_409 = tpu.memref_slice %arg4[%select_n3A_342, %dma_start3A_405, %mul3A_403] : memref<200x4x32768xf32, #tpu.memory_space<hbm>> -> memref<1x1x2048xf32, #tpu.memory_space<hbm>>
      %dma_start3A_410 = tpu.memref_squeeze %dma_start3A_409 : memref<1x1x2048xf32, #tpu.memory_space<hbm>> -> memref<2048xf32, #tpu.memory_space<hbm>>
      %dma_start3A_411 = tpu.memref_slice %arg4[%select_n3A_342, %dma_start3A_405, %mul3A_403] : memref<200x4x32768xf32, #tpu.memory_space<hbm>> -> memref<1x1x2048xf32, #tpu.memory_space<hbm>>
      %dma_start3A_412 = tpu.memref_squeeze %dma_start3A_411 : memref<1x1x2048xf32, #tpu.memory_space<hbm>> -> memref<2048xf32, #tpu.memory_space<hbm>>
      %dma_start3A_413 = arith.constant 6144 : i32
      %dma_start3A_414 = tpu.memref_slice %arg7[%dma_start3A_404, %dma_start3A_413] : memref<4x8192xf32, #tpu.memory_space<vmem>> -> memref<1x2048xf32, #tpu.memory_space<vmem>>
      %dma_start3A_415 = tpu.memref_squeeze %dma_start3A_414 : memref<1x2048xf32, #tpu.memory_space<vmem>> -> memref<2048xf32, #tpu.memory_space<vmem>>
      tpu.enqueue_dma source(%dma_start3A_415 : memref<2048xf32, #tpu.memory_space<vmem>>) target(%dma_start3A_412 : memref<2048xf32, #tpu.memory_space<hbm>>) target_semaphore(%arg13 : memref<!tpu.dma_semaphore, #tpu.memory_space<semaphore_mem>>)
      %lt3A_416 = arith.constant 24 : i32
      %lt3A_417 = arith.cmpi slt, %scan3A_305, %lt3A_416 : i32
      %convert_element_type3A_418 = arith.extui %lt3A_417 : i1 to i32
      %cond3A_419 = arith.constant 0 : i32
      %cond3A_420 = arith.cmpi ne, %convert_element_type3A_418, %cond3A_419 : i32
      scf.if %cond3A_420 {
        %add3A_799 = arith.constant 4 : i32
        %add3A_800 = arith.addi %add3A_309, %add3A_799 : i32
        %mul3A_801 = arith.constant 256 : i32
        %mul3A_802 = arith.muli %add3A_800, %mul3A_801 : i32
        %dma_start3A_803 = arith.constant 0 : i32
        %dma_start3A_804 = arith.constant 0 : i32
        %dma_start3A_805 = arith.constant 0 : i32
        %dma_start3A_806 = tpu.memref_slice %arg6[%dma_start3A_803, %dma_start3A_804, %dma_start3A_805] : memref<4x256x32xf32, #tpu.memory_space<vmem>> -> memref<1x256x32xf32, #tpu.memory_space<vmem>>
        %dma_start3A_807 = tpu.memref_squeeze %dma_start3A_806 : memref<1x256x32xf32, #tpu.memory_space<vmem>> -> memref<256x32xf32, #tpu.memory_space<vmem>>
        %dma_start3A_808 = tpu.memref_slice %arg5[%mul3A_802] : memref<25600xi32, #tpu.memory_space<vmem>> -> memref<256xi32, #tpu.memory_space<vmem>>
        %dma_start3A_809 = arith.constant 0 : i32
        %dma_start3A_810 = arith.constant 0 : i32
        %dma_start3A_811 = tpu.memref_slice %arg3[%dma_start3A_809, %dma_start3A_810] : memref<1000000x32xf32, #tpu.memory_space<hbm>> -> memref<1000000x32xf32, #tpu.memory_space<hbm>>
        tpu.enqueue_indirect_dma source(%dma_start3A_811 : memref<1000000x32xf32, #tpu.memory_space<hbm>>) target(%dma_start3A_807 : memref<256x32xf32, #tpu.memory_space<vmem>>) offsets(%dma_start3A_808 : memref<256xi32, #tpu.memory_space<vmem>>) semaphore(%arg9 : memref<!tpu.dma_semaphore, #tpu.memory_space<semaphore_mem>>)
      } else {
      }
      %mul3A_421 = arith.constant 4 : i32
      %mul3A_422 = arith.muli %mul3A_421, %scan3A_305 : i32
      %add3A_423 = arith.constant 1 : i32
      %add3A_424 = arith.addi %mul3A_422, %add3A_423 : i32
      %dma_wait3A_425 = arith.constant 1 : i32
      %dma_wait3A_426 = arith.constant 0 : i32
      %dma_wait3A_427 = arith.constant 0 : i32
      %dma_wait3A_428 = tpu.memref_slice %arg6[%dma_wait3A_425, %dma_wait3A_426, %dma_wait3A_427] : memref<4x256x32xf32, #tpu.memory_space<vmem>> -> memref<1x256x32xf32, #tpu.memory_space<vmem>>
      %dma_wait3A_429 = tpu.memref_squeeze %dma_wait3A_428 : memref<1x256x32xf32, #tpu.memory_space<vmem>> -> memref<256x32xf32, #tpu.memory_space<vmem>>
      %dma_wait3A_430 = arith.constant 0 : i32
      %dma_wait3A_431 = tpu.memref_slice %arg5[%dma_wait3A_430] : memref<25600xi32, #tpu.memory_space<vmem>> -> memref<256xi32, #tpu.memory_space<vmem>>
      %dma_wait3A_432 = arith.constant 0 : i32
      %dma_wait3A_433 = arith.constant 0 : i32
      %dma_wait3A_434 = tpu.memref_slice %arg3[%dma_wait3A_432, %dma_wait3A_433] : memref<1000000x32xf32, #tpu.memory_space<hbm>> -> memref<1000000x32xf32, #tpu.memory_space<hbm>>
      tpu.wait_indirect_dma semaphore(%arg10 : memref<!tpu.dma_semaphore, #tpu.memory_space<semaphore_mem>>) src(%dma_wait3A_434 : memref<1000000x32xf32, #tpu.memory_space<hbm>>) dst(%dma_wait3A_429 : memref<256x32xf32, #tpu.memory_space<vmem>>)
      %ge3A_435 = arith.constant 1 : i32
      %ge3A_436 = arith.cmpi sge, %scan3A_305, %ge3A_435 : i32
      %convert_element_type3A_437 = arith.extui %ge3A_436 : i1 to i32
      %cond3A_438 = arith.constant 0 : i32
      %cond3A_439 = arith.cmpi ne, %convert_element_type3A_437, %cond3A_438 : i32
      scf.if %cond3A_439 {
        %dma_wait3A_799 = arith.constant 1 : i32
        %dma_wait3A_800 = arith.constant 0 : i32
        %dma_wait3A_801 = arith.constant 0 : i32
        %dma_wait3A_802 = arith.constant 0 : i32
        %dma_wait3A_803 = tpu.memref_slice %arg7[%dma_wait3A_799, %dma_wait3A_802] : memref<4x8192xf32, #tpu.memory_space<vmem>> -> memref<1x2048xf32, #tpu.memory_space<vmem>>
        %dma_wait3A_804 = tpu.memref_squeeze %dma_wait3A_803 : memref<1x2048xf32, #tpu.memory_space<vmem>> -> memref<2048xf32, #tpu.memory_space<vmem>>
        %dma_wait3A_805 = arith.constant 0 : i32
        %dma_wait3A_806 = tpu.memref_slice %arg4[%dma_wait3A_800, %dma_wait3A_801, %dma_wait3A_805] : memref<200x4x32768xf32, #tpu.memory_space<hbm>> -> memref<1x1x2048xf32, #tpu.memory_space<hbm>>
        %dma_wait3A_807 = tpu.memref_squeeze %dma_wait3A_806 : memref<1x1x2048xf32, #tpu.memory_space<hbm>> -> memref<2048xf32, #tpu.memory_space<hbm>>
        %dma_wait3A_808 = arith.constant 0 : i32
        %dma_wait3A_809 = tpu.memref_slice %arg4[%dma_wait3A_800, %dma_wait3A_801, %dma_wait3A_808] : memref<200x4x32768xf32, #tpu.memory_space<hbm>> -> memref<1x1x2048xf32, #tpu.memory_space<hbm>>
        %dma_wait3A_810 = tpu.memref_squeeze %dma_wait3A_809 : memref<1x1x2048xf32, #tpu.memory_space<hbm>> -> memref<2048xf32, #tpu.memory_space<hbm>>
        %dma_wait3A_811 = arith.constant 0 : i32
        %dma_wait3A_812 = tpu.memref_slice %arg7[%dma_wait3A_799, %dma_wait3A_811] : memref<4x8192xf32, #tpu.memory_space<vmem>> -> memref<1x2048xf32, #tpu.memory_space<vmem>>
        %dma_wait3A_813 = tpu.memref_squeeze %dma_wait3A_812 : memref<1x2048xf32, #tpu.memory_space<vmem>> -> memref<2048xf32, #tpu.memory_space<vmem>>
        tpu.wait_dma2 semaphore(%arg14 : memref<!tpu.dma_semaphore, #tpu.memory_space<semaphore_mem>>) src(%dma_wait3A_813 : memref<2048xf32, #tpu.memory_space<vmem>>) dst(%dma_wait3A_810 : memref<2048xf32, #tpu.memory_space<hbm>>)
        %dma_wait3A_814 = arith.constant 1 : i32
        %dma_wait3A_815 = arith.constant 0 : i32
        %dma_wait3A_816 = arith.constant 0 : i32
        %dma_wait3A_817 = arith.constant 2048 : i32
        %dma_wait3A_818 = tpu.memref_slice %arg7[%dma_wait3A_814, %dma_wait3A_817] : memref<4x8192xf32, #tpu.memory_space<vmem>> -> memref<1x2048xf32, #tpu.memory_space<vmem>>
        %dma_wait3A_819 = tpu.memref_squeeze %dma_wait3A_818 : memref<1x2048xf32, #tpu.memory_space<vmem>> -> memref<2048xf32, #tpu.memory_space<vmem>>
        %dma_wait3A_820 = arith.constant 0 : i32
        %dma_wait3A_821 = tpu.memref_slice %arg4[%dma_wait3A_815, %dma_wait3A_816, %dma_wait3A_820] : memref<200x4x32768xf32, #tpu.memory_space<hbm>> -> memref<1x1x2048xf32, #tpu.memory_space<hbm>>
        %dma_wait3A_822 = tpu.memref_squeeze %dma_wait3A_821 : memref<1x1x2048xf32, #tpu.memory_space<hbm>> -> memref<2048xf32, #tpu.memory_space<hbm>>
        %dma_wait3A_823 = arith.constant 0 : i32
        %dma_wait3A_824 = tpu.memref_slice %arg4[%dma_wait3A_815, %dma_wait3A_816, %dma_wait3A_823] : memref<200x4x32768xf32, #tpu.memory_space<hbm>> -> memref<1x1x2048xf32, #tpu.memory_space<hbm>>
        %dma_wait3A_825 = tpu.memref_squeeze %dma_wait3A_824 : memref<1x1x2048xf32, #tpu.memory_space<hbm>> -> memref<2048xf32, #tpu.memory_space<hbm>>
        %dma_wait3A_826 = arith.constant 2048 : i32
        %dma_wait3A_827 = tpu.memref_slice %arg7[%dma_wait3A_814, %dma_wait3A_826] : memref<4x8192xf32, #tpu.memory_space<vmem>> -> memref<1x2048xf32, #tpu.memory_space<vmem>>
        %dma_wait3A_828 = tpu.memref_squeeze %dma_wait3A_827 : memref<1x2048xf32, #tpu.memory_space<vmem>> -> memref<2048xf32, #tpu.memory_space<vmem>>
        tpu.wait_dma2 semaphore(%arg14 : memref<!tpu.dma_semaphore, #tpu.memory_space<semaphore_mem>>) src(%dma_wait3A_828 : memref<2048xf32, #tpu.memory_space<vmem>>) dst(%dma_wait3A_825 : memref<2048xf32, #tpu.memory_space<hbm>>)
        %dma_wait3A_829 = arith.constant 1 : i32
        %dma_wait3A_830 = arith.constant 0 : i32
        %dma_wait3A_831 = arith.constant 0 : i32
        %dma_wait3A_832 = arith.constant 4096 : i32
        %dma_wait3A_833 = tpu.memref_slice %arg7[%dma_wait3A_829, %dma_wait3A_832] : memref<4x8192xf32, #tpu.memory_space<vmem>> -> memref<1x2048xf32, #tpu.memory_space<vmem>>
        %dma_wait3A_834 = tpu.memref_squeeze %dma_wait3A_833 : memref<1x2048xf32, #tpu.memory_space<vmem>> -> memref<2048xf32, #tpu.memory_space<vmem>>
        %dma_wait3A_835 = arith.constant 0 : i32
        %dma_wait3A_836 = tpu.memref_slice %arg4[%dma_wait3A_830, %dma_wait3A_831, %dma_wait3A_835] : memref<200x4x32768xf32, #tpu.memory_space<hbm>> -> memref<1x1x2048xf32, #tpu.memory_space<hbm>>
        %dma_wait3A_837 = tpu.memref_squeeze %dma_wait3A_836 : memref<1x1x2048xf32, #tpu.memory_space<hbm>> -> memref<2048xf32, #tpu.memory_space<hbm>>
        %dma_wait3A_838 = arith.constant 0 : i32
        %dma_wait3A_839 = tpu.memref_slice %arg4[%dma_wait3A_830, %dma_wait3A_831, %dma_wait3A_838] : memref<200x4x32768xf32, #tpu.memory_space<hbm>> -> memref<1x1x2048xf32, #tpu.memory_space<hbm>>
        %dma_wait3A_840 = tpu.memref_squeeze %dma_wait3A_839 : memref<1x1x2048xf32, #tpu.memory_space<hbm>> -> memref<2048xf32, #tpu.memory_space<hbm>>
        %dma_wait3A_841 = arith.constant 4096 : i32
        %dma_wait3A_842 = tpu.memref_slice %arg7[%dma_wait3A_829, %dma_wait3A_841] : memref<4x8192xf32, #tpu.memory_space<vmem>> -> memref<1x2048xf32, #tpu.memory_space<vmem>>
        %dma_wait3A_843 = tpu.memref_squeeze %dma_wait3A_842 : memref<1x2048xf32, #tpu.memory_space<vmem>> -> memref<2048xf32, #tpu.memory_space<vmem>>
        tpu.wait_dma2 semaphore(%arg14 : memref<!tpu.dma_semaphore, #tpu.memory_space<semaphore_mem>>) src(%dma_wait3A_843 : memref<2048xf32, #tpu.memory_space<vmem>>) dst(%dma_wait3A_840 : memref<2048xf32, #tpu.memory_space<hbm>>)
        %dma_wait3A_844 = arith.constant 1 : i32
        %dma_wait3A_845 = arith.constant 0 : i32
        %dma_wait3A_846 = arith.constant 0 : i32
        %dma_wait3A_847 = arith.constant 6144 : i32
        %dma_wait3A_848 = tpu.memref_slice %arg7[%dma_wait3A_844, %dma_wait3A_847] : memref<4x8192xf32, #tpu.memory_space<vmem>> -> memref<1x2048xf32, #tpu.memory_space<vmem>>
        %dma_wait3A_849 = tpu.memref_squeeze %dma_wait3A_848 : memref<1x2048xf32, #tpu.memory_space<vmem>> -> memref<2048xf32, #tpu.memory_space<vmem>>
        %dma_wait3A_850 = arith.constant 0 : i32
        %dma_wait3A_851 = tpu.memref_slice %arg4[%dma_wait3A_845, %dma_wait3A_846, %dma_wait3A_850] : memref<200x4x32768xf32, #tpu.memory_space<hbm>> -> memref<1x1x2048xf32, #tpu.memory_space<hbm>>
        %dma_wait3A_852 = tpu.memref_squeeze %dma_wait3A_851 : memref<1x1x2048xf32, #tpu.memory_space<hbm>> -> memref<2048xf32, #tpu.memory_space<hbm>>
        %dma_wait3A_853 = arith.constant 0 : i32
        %dma_wait3A_854 = tpu.memref_slice %arg4[%dma_wait3A_845, %dma_wait3A_846, %dma_wait3A_853] : memref<200x4x32768xf32, #tpu.memory_space<hbm>> -> memref<1x1x2048xf32, #tpu.memory_space<hbm>>
        %dma_wait3A_855 = tpu.memref_squeeze %dma_wait3A_854 : memref<1x1x2048xf32, #tpu.memory_space<hbm>> -> memref<2048xf32, #tpu.memory_space<hbm>>
        %dma_wait3A_856 = arith.constant 6144 : i32
        %dma_wait3A_857 = tpu.memref_slice %arg7[%dma_wait3A_844, %dma_wait3A_856] : memref<4x8192xf32, #tpu.memory_space<vmem>> -> memref<1x2048xf32, #tpu.memory_space<vmem>>
        %dma_wait3A_858 = tpu.memref_squeeze %dma_wait3A_857 : memref<1x2048xf32, #tpu.memory_space<vmem>> -> memref<2048xf32, #tpu.memory_space<vmem>>
        tpu.wait_dma2 semaphore(%arg14 : memref<!tpu.dma_semaphore, #tpu.memory_space<semaphore_mem>>) src(%dma_wait3A_858 : memref<2048xf32, #tpu.memory_space<vmem>>) dst(%dma_wait3A_855 : memref<2048xf32, #tpu.memory_space<hbm>>)
      } else {
      }
      %parallel_loop3A_440 = arith.constant 0 : i32
      %parallel_loop3A_441 = arith.constant 256 : i32
      %parallel_loop3A_442 = arith.constant 1 : i32
      scf.for %parallel_loop3A_799 = %parallel_loop3A_440 to %parallel_loop3A_441 step %parallel_loop3A_442  : i32 {
        %parallel_loop3A_800 = arith.constant 7 : i32
        %parallel_loop3A_801 = arith.shrsi %parallel_loop3A_799, %parallel_loop3A_800 : i32
        %parallel_loop3A_802 = arith.constant 1024 : i32
        %parallel_loop3A_803 = arith.muli %parallel_loop3A_801, %parallel_loop3A_802 : i32
        %parallel_loop3A_804 = arith.constant 127 : i32
        %parallel_loop3A_805 = arith.andi %parallel_loop3A_799, %parallel_loop3A_804 : i32
        %parallel_loop3A_806 = arith.addi %parallel_loop3A_803, %parallel_loop3A_805 : i32
        %parallel_loop3A_807 = vector.broadcast %parallel_loop3A_806 : i32 to vector<16xi32>
        %parallel_loop3A_808 = arith.addi %select_n3A, %parallel_loop3A_807 : vector<16xi32>
        %parallel_loop3A_809 = arith.constant 1 : i32
        %parallel_loop3A_810 = arith.index_cast %parallel_loop3A_809 : i32 to index
        %parallel_loop3A_811 = arith.index_cast %parallel_loop3A_799 : i32 to index
        %parallel_loop3A_812 = arith.constant 0 : index
        %parallel_loop3A_813 = tpu.vector_load %arg6[%parallel_loop3A_810, %parallel_loop3A_811, %parallel_loop3A_812] {strides = array<i32>} : memref<4x256x32xf32, #tpu.memory_space<vmem>>, vector<16xf32>,
        %parallel_loop3A_814 = arith.constant 1 : i32
        %parallel_loop3A_815 = arith.constant 0 : i32
        %parallel_loop3A_816 = tpu.memref_slice %arg7[%parallel_loop3A_814, %parallel_loop3A_815] : memref<4x8192xf32, #tpu.memory_space<vmem>> -> memref<1x8192xf32, #tpu.memory_space<vmem>>
        %parallel_loop3A_817 = tpu.memref_squeeze %parallel_loop3A_816 : memref<1x8192xf32, #tpu.memory_space<vmem>> -> memref<8192xf32, #tpu.memory_space<vmem>>
        tpu.vector_store_idx %parallel_loop3A_817[%parallel_loop3A_808], %parallel_loop3A_813 : memref<8192xf32, #tpu.memory_space<vmem>>[vector<16xi32>], vector<16xf32>,
        %parallel_loop3A_818 = arith.constant 4096 : i32
        %parallel_loop3A_819 = vector.broadcast %parallel_loop3A_818 : i32 to vector<16xi32>
        %parallel_loop3A_820 = arith.addi %parallel_loop3A_808, %parallel_loop3A_819 : vector<16xi32>
        %parallel_loop3A_821 = arith.constant 1 : i32
        %parallel_loop3A_822 = arith.index_cast %parallel_loop3A_821 : i32 to index
        %parallel_loop3A_823 = arith.index_cast %parallel_loop3A_799 : i32 to index
        %parallel_loop3A_824 = arith.constant 16 : index
        %parallel_loop3A_825 = tpu.vector_load %arg6[%parallel_loop3A_822, %parallel_loop3A_823, %parallel_loop3A_824] {strides = array<i32>} : memref<4x256x32xf32, #tpu.memory_space<vmem>>, vector<16xf32>,
        %parallel_loop3A_826 = arith.constant 1 : i32
        %parallel_loop3A_827 = arith.constant 0 : i32
        %parallel_loop3A_828 = tpu.memref_slice %arg7[%parallel_loop3A_826, %parallel_loop3A_827] : memref<4x8192xf32, #tpu.memory_space<vmem>> -> memref<1x8192xf32, #tpu.memory_space<vmem>>
        %parallel_loop3A_829 = tpu.memref_squeeze %parallel_loop3A_828 : memref<1x8192xf32, #tpu.memory_space<vmem>> -> memref<8192xf32, #tpu.memory_space<vmem>>
        tpu.vector_store_idx %parallel_loop3A_829[%parallel_loop3A_820], %parallel_loop3A_825 : memref<8192xf32, #tpu.memory_space<vmem>>[vector<16xi32>], vector<16xf32>,
      } {sc.loop_unroll_factor = 8 : i64, sc.parallel_access}
      %add3A_443 = arith.addi %mul3A_2, %add3A_424 : i32
      %jit3A_444 = arith.constant 16 : i32
      %div3A_445 = arith.divsi %add3A_443, %jit3A_444 : i32
      %sign3A_446 = arith.constant 0 : i32
      %sign3A_447 = arith.cmpi sgt, %add3A_443, %sign3A_446 : i32
      %sign3A_448 = arith.extui %sign3A_447 : i1 to i32
      %sign3A_449 = arith.constant 0 : i32
      %sign3A_450 = arith.cmpi slt, %add3A_443, %sign3A_449 : i32
      %sign3A_451 = arith.extui %sign3A_450 : i1 to i32
      %sign3A_452 = arith.subi %sign3A_448, %sign3A_451 : i32
      %sign3A_453 = arith.constant 0 : i32
      %sign3A_454 = arith.cmpi sgt, %jit3A_444, %sign3A_453 : i32
      %sign3A_455 = arith.extui %sign3A_454 : i1 to i32
      %sign3A_456 = arith.constant 0 : i32
      %sign3A_457 = arith.cmpi slt, %jit3A_444, %sign3A_456 : i32
      %sign3A_458 = arith.extui %sign3A_457 : i1 to i32
      %sign3A_459 = arith.subi %sign3A_455, %sign3A_458 : i32
      %ne3A_460 = arith.cmpi ne, %sign3A_452, %sign3A_459 : i32
      %rem3A_461 = arith.remsi %add3A_443, %jit3A_444 : i32
      %ne3A_462 = arith.constant 0 : i32
      %ne3A_463 = arith.cmpi ne, %rem3A_461, %ne3A_462 : i32
      %and3A_464 = arith.andi %ne3A_460, %ne3A_463 : i1
      %sub3A_465 = arith.constant 1 : i32
      %sub3A_466 = arith.subi %div3A_445, %sub3A_465 : i32
      %select_n3A_467 = arith.select %and3A_464, %sub3A_466, %div3A_445 : i32
      %jit3A_468 = arith.constant 16 : i32
      %eq3A_469 = arith.constant 0 : i32
      %eq3A_470 = arith.cmpi eq, %jit3A_468, %eq3A_469 : i32
      %jit3A_471 = arith.constant 1 : i32
      %select_n3A_472 = arith.select %eq3A_470, %jit3A_471, %jit3A_468 : i32
      %rem3A_473 = arith.remsi %add3A_443, %select_n3A_472 : i32
      %ne3A_474 = arith.constant 0 : i32
      %ne3A_475 = arith.cmpi ne, %rem3A_473, %ne3A_474 : i32
      %lt3A_476 = arith.constant 0 : i32
      %lt3A_477 = arith.cmpi slt, %rem3A_473, %lt3A_476 : i32
      %lt3A_478 = arith.constant 0 : i32
      %lt3A_479 = arith.cmpi slt, %select_n3A_472, %lt3A_478 : i32
      %ne3A_480 = arith.xori %lt3A_477, %lt3A_479 : i1
      %and3A_481 = arith.andi %ne3A_480, %ne3A_475 : i1
      %add3A_482 = arith.addi %rem3A_473, %select_n3A_472 : i32
      %select_n3A_483 = arith.select %and3A_481, %add3A_482, %rem3A_473 : i32
      %mul3A_484 = arith.constant 256 : i32
      %mul3A_485 = arith.muli %select_n3A_483, %mul3A_484 : i32
      %mul3A_486 = arith.constant 8 : i32
      %mul3A_487 = arith.muli %mul3A_485, %mul3A_486 : i32
      %dma_start3A_488 = arith.constant 1 : i32
      %dma_start3A_489 = arith.constant 0 : i32
      %dma_start3A_490 = arith.constant 0 : i32
      %dma_start3A_491 = tpu.memref_slice %arg7[%dma_start3A_488, %dma_start3A_490] : memref<4x8192xf32, #tpu.memory_space<vmem>> -> memref<1x2048xf32, #tpu.memory_space<vmem>>
      %dma_start3A_492 = tpu.memref_squeeze %dma_start3A_491 : memref<1x2048xf32, #tpu.memory_space<vmem>> -> memref<2048xf32, #tpu.memory_space<vmem>>
      %dma_start3A_493 = tpu.memref_slice %arg4[%select_n3A_467, %dma_start3A_489, %mul3A_487] : memref<200x4x32768xf32, #tpu.memory_space<hbm>> -> memref<1x1x2048xf32, #tpu.memory_space<hbm>>
      %dma_start3A_494 = tpu.memref_squeeze %dma_start3A_493 : memref<1x1x2048xf32, #tpu.memory_space<hbm>> -> memref<2048xf32, #tpu.memory_space<hbm>>
      %dma_start3A_495 = tpu.memref_slice %arg4[%select_n3A_467, %dma_start3A_489, %mul3A_487] : memref<200x4x32768xf32, #tpu.memory_space<hbm>> -> memref<1x1x2048xf32, #tpu.memory_space<hbm>>
      %dma_start3A_496 = tpu.memref_squeeze %dma_start3A_495 : memref<1x1x2048xf32, #tpu.memory_space<hbm>> -> memref<2048xf32, #tpu.memory_space<hbm>>
      %dma_start3A_497 = arith.constant 0 : i32
      %dma_start3A_498 = tpu.memref_slice %arg7[%dma_start3A_488, %dma_start3A_497] : memref<4x8192xf32, #tpu.memory_space<vmem>> -> memref<1x2048xf32, #tpu.memory_space<vmem>>
      %dma_start3A_499 = tpu.memref_squeeze %dma_start3A_498 : memref<1x2048xf32, #tpu.memory_space<vmem>> -> memref<2048xf32, #tpu.memory_space<vmem>>
      tpu.enqueue_dma source(%dma_start3A_499 : memref<2048xf32, #tpu.memory_space<vmem>>) target(%dma_start3A_496 : memref<2048xf32, #tpu.memory_space<hbm>>) target_semaphore(%arg14 : memref<!tpu.dma_semaphore, #tpu.memory_space<semaphore_mem>>)
      %mul3A_500 = arith.constant 8 : i32
      %mul3A_501 = arith.muli %mul3A_485, %mul3A_500 : i32
      %dma_start3A_502 = arith.constant 1 : i32
      %dma_start3A_503 = arith.constant 1 : i32
      %dma_start3A_504 = arith.constant 2048 : i32
      %dma_start3A_505 = tpu.memref_slice %arg7[%dma_start3A_502, %dma_start3A_504] : memref<4x8192xf32, #tpu.memory_space<vmem>> -> memref<1x2048xf32, #tpu.memory_space<vmem>>
      %dma_start3A_506 = tpu.memref_squeeze %dma_start3A_505 : memref<1x2048xf32, #tpu.memory_space<vmem>> -> memref<2048xf32, #tpu.memory_space<vmem>>
      %dma_start3A_507 = tpu.memref_slice %arg4[%select_n3A_467, %dma_start3A_503, %mul3A_501] : memref<200x4x32768xf32, #tpu.memory_space<hbm>> -> memref<1x1x2048xf32, #tpu.memory_space<hbm>>
      %dma_start3A_508 = tpu.memref_squeeze %dma_start3A_507 : memref<1x1x2048xf32, #tpu.memory_space<hbm>> -> memref<2048xf32, #tpu.memory_space<hbm>>
      %dma_start3A_509 = tpu.memref_slice %arg4[%select_n3A_467, %dma_start3A_503, %mul3A_501] : memref<200x4x32768xf32, #tpu.memory_space<hbm>> -> memref<1x1x2048xf32, #tpu.memory_space<hbm>>
      %dma_start3A_510 = tpu.memref_squeeze %dma_start3A_509 : memref<1x1x2048xf32, #tpu.memory_space<hbm>> -> memref<2048xf32, #tpu.memory_space<hbm>>
      %dma_start3A_511 = arith.constant 2048 : i32
      %dma_start3A_512 = tpu.memref_slice %arg7[%dma_start3A_502, %dma_start3A_511] : memref<4x8192xf32, #tpu.memory_space<vmem>> -> memref<1x2048xf32, #tpu.memory_space<vmem>>
      %dma_start3A_513 = tpu.memref_squeeze %dma_start3A_512 : memref<1x2048xf32, #tpu.memory_space<vmem>> -> memref<2048xf32, #tpu.memory_space<vmem>>
      tpu.enqueue_dma source(%dma_start3A_513 : memref<2048xf32, #tpu.memory_space<vmem>>) target(%dma_start3A_510 : memref<2048xf32, #tpu.memory_space<hbm>>) target_semaphore(%arg14 : memref<!tpu.dma_semaphore, #tpu.memory_space<semaphore_mem>>)
      %mul3A_514 = arith.constant 8 : i32
      %mul3A_515 = arith.muli %mul3A_485, %mul3A_514 : i32
      %dma_start3A_516 = arith.constant 1 : i32
      %dma_start3A_517 = arith.constant 2 : i32
      %dma_start3A_518 = arith.constant 4096 : i32
      %dma_start3A_519 = tpu.memref_slice %arg7[%dma_start3A_516, %dma_start3A_518] : memref<4x8192xf32, #tpu.memory_space<vmem>> -> memref<1x2048xf32, #tpu.memory_space<vmem>>
      %dma_start3A_520 = tpu.memref_squeeze %dma_start3A_519 : memref<1x2048xf32, #tpu.memory_space<vmem>> -> memref<2048xf32, #tpu.memory_space<vmem>>
      %dma_start3A_521 = tpu.memref_slice %arg4[%select_n3A_467, %dma_start3A_517, %mul3A_515] : memref<200x4x32768xf32, #tpu.memory_space<hbm>> -> memref<1x1x2048xf32, #tpu.memory_space<hbm>>
      %dma_start3A_522 = tpu.memref_squeeze %dma_start3A_521 : memref<1x1x2048xf32, #tpu.memory_space<hbm>> -> memref<2048xf32, #tpu.memory_space<hbm>>
      %dma_start3A_523 = tpu.memref_slice %arg4[%select_n3A_467, %dma_start3A_517, %mul3A_515] : memref<200x4x32768xf32, #tpu.memory_space<hbm>> -> memref<1x1x2048xf32, #tpu.memory_space<hbm>>
      %dma_start3A_524 = tpu.memref_squeeze %dma_start3A_523 : memref<1x1x2048xf32, #tpu.memory_space<hbm>> -> memref<2048xf32, #tpu.memory_space<hbm>>
      %dma_start3A_525 = arith.constant 4096 : i32
      %dma_start3A_526 = tpu.memref_slice %arg7[%dma_start3A_516, %dma_start3A_525] : memref<4x8192xf32, #tpu.memory_space<vmem>> -> memref<1x2048xf32, #tpu.memory_space<vmem>>
      %dma_start3A_527 = tpu.memref_squeeze %dma_start3A_526 : memref<1x2048xf32, #tpu.memory_space<vmem>> -> memref<2048xf32, #tpu.memory_space<vmem>>
      tpu.enqueue_dma source(%dma_start3A_527 : memref<2048xf32, #tpu.memory_space<vmem>>) target(%dma_start3A_524 : memref<2048xf32, #tpu.memory_space<hbm>>) target_semaphore(%arg14 : memref<!tpu.dma_semaphore, #tpu.memory_space<semaphore_mem>>)
      %mul3A_528 = arith.constant 8 : i32
      %mul3A_529 = arith.muli %mul3A_485, %mul3A_528 : i32
      %dma_start3A_530 = arith.constant 1 : i32
      %dma_start3A_531 = arith.constant 3 : i32
      %dma_start3A_532 = arith.constant 6144 : i32
      %dma_start3A_533 = tpu.memref_slice %arg7[%dma_start3A_530, %dma_start3A_532] : memref<4x8192xf32, #tpu.memory_space<vmem>> -> memref<1x2048xf32, #tpu.memory_space<vmem>>
      %dma_start3A_534 = tpu.memref_squeeze %dma_start3A_533 : memref<1x2048xf32, #tpu.memory_space<vmem>> -> memref<2048xf32, #tpu.memory_space<vmem>>
      %dma_start3A_535 = tpu.memref_slice %arg4[%select_n3A_467, %dma_start3A_531, %mul3A_529] : memref<200x4x32768xf32, #tpu.memory_space<hbm>> -> memref<1x1x2048xf32, #tpu.memory_space<hbm>>
      %dma_start3A_536 = tpu.memref_squeeze %dma_start3A_535 : memref<1x1x2048xf32, #tpu.memory_space<hbm>> -> memref<2048xf32, #tpu.memory_space<hbm>>
      %dma_start3A_537 = tpu.memref_slice %arg4[%select_n3A_467, %dma_start3A_531, %mul3A_529] : memref<200x4x32768xf32, #tpu.memory_space<hbm>> -> memref<1x1x2048xf32, #tpu.memory_space<hbm>>
      %dma_start3A_538 = tpu.memref_squeeze %dma_start3A_537 : memref<1x1x2048xf32, #tpu.memory_space<hbm>> -> memref<2048xf32, #tpu.memory_space<hbm>>
      %dma_start3A_539 = arith.constant 6144 : i32
      %dma_start3A_540 = tpu.memref_slice %arg7[%dma_start3A_530, %dma_start3A_539] : memref<4x8192xf32, #tpu.memory_space<vmem>> -> memref<1x2048xf32, #tpu.memory_space<vmem>>
      %dma_start3A_541 = tpu.memref_squeeze %dma_start3A_540 : memref<1x2048xf32, #tpu.memory_space<vmem>> -> memref<2048xf32, #tpu.memory_space<vmem>>
      tpu.enqueue_dma source(%dma_start3A_541 : memref<2048xf32, #tpu.memory_space<vmem>>) target(%dma_start3A_538 : memref<2048xf32, #tpu.memory_space<hbm>>) target_semaphore(%arg14 : memref<!tpu.dma_semaphore, #tpu.memory_space<semaphore_mem>>)
      %lt3A_542 = arith.constant 24 : i32
      %lt3A_543 = arith.cmpi slt, %scan3A_305, %lt3A_542 : i32
      %convert_element_type3A_544 = arith.extui %lt3A_543 : i1 to i32
      %cond3A_545 = arith.constant 0 : i32
      %cond3A_546 = arith.cmpi ne, %convert_element_type3A_544, %cond3A_545 : i32
      scf.if %cond3A_546 {
        %add3A_799 = arith.constant 4 : i32
        %add3A_800 = arith.addi %add3A_424, %add3A_799 : i32
        %mul3A_801 = arith.constant 256 : i32
        %mul3A_802 = arith.muli %add3A_800, %mul3A_801 : i32
        %dma_start3A_803 = arith.constant 1 : i32
        %dma_start3A_804 = arith.constant 0 : i32
        %dma_start3A_805 = arith.constant 0 : i32
        %dma_start3A_806 = tpu.memref_slice %arg6[%dma_start3A_803, %dma_start3A_804, %dma_start3A_805] : memref<4x256x32xf32, #tpu.memory_space<vmem>> -> memref<1x256x32xf32, #tpu.memory_space<vmem>>
        %dma_start3A_807 = tpu.memref_squeeze %dma_start3A_806 : memref<1x256x32xf32, #tpu.memory_space<vmem>> -> memref<256x32xf32, #tpu.memory_space<vmem>>
        %dma_start3A_808 = tpu.memref_slice %arg5[%mul3A_802] : memref<25600xi32, #tpu.memory_space<vmem>> -> memref<256xi32, #tpu.memory_space<vmem>>
        %dma_start3A_809 = arith.constant 0 : i32
        %dma_start3A_810 = arith.constant 0 : i32
        %dma_start3A_811 = tpu.memref_slice %arg3[%dma_start3A_809, %dma_start3A_810] : memref<1000000x32xf32, #tpu.memory_space<hbm>> -> memref<1000000x32xf32, #tpu.memory_space<hbm>>
        tpu.enqueue_indirect_dma source(%dma_start3A_811 : memref<1000000x32xf32, #tpu.memory_space<hbm>>) target(%dma_start3A_807 : memref<256x32xf32, #tpu.memory_space<vmem>>) offsets(%dma_start3A_808 : memref<256xi32, #tpu.memory_space<vmem>>) semaphore(%arg10 : memref<!tpu.dma_semaphore, #tpu.memory_space<semaphore_mem>>)
      } else {
      }
      %mul3A_547 = arith.constant 4 : i32
      %mul3A_548 = arith.muli %mul3A_547, %scan3A_305 : i32
      %add3A_549 = arith.constant 2 : i32
      %add3A_550 = arith.addi %mul3A_548, %add3A_549 : i32
      %dma_wait3A_551 = arith.constant 2 : i32
      %dma_wait3A_552 = arith.constant 0 : i32
      %dma_wait3A_553 = arith.constant 0 : i32
      %dma_wait3A_554 = tpu.memref_slice %arg6[%dma_wait3A_551, %dma_wait3A_552, %dma_wait3A_553] : memref<4x256x32xf32, #tpu.memory_space<vmem>> -> memref<1x256x32xf32, #tpu.memory_space<vmem>>
      %dma_wait3A_555 = tpu.memref_squeeze %dma_wait3A_554 : memref<1x256x32xf32, #tpu.memory_space<vmem>> -> memref<256x32xf32, #tpu.memory_space<vmem>>
      %dma_wait3A_556 = arith.constant 0 : i32
      %dma_wait3A_557 = tpu.memref_slice %arg5[%dma_wait3A_556] : memref<25600xi32, #tpu.memory_space<vmem>> -> memref<256xi32, #tpu.memory_space<vmem>>
      %dma_wait3A_558 = arith.constant 0 : i32
      %dma_wait3A_559 = arith.constant 0 : i32
      %dma_wait3A_560 = tpu.memref_slice %arg3[%dma_wait3A_558, %dma_wait3A_559] : memref<1000000x32xf32, #tpu.memory_space<hbm>> -> memref<1000000x32xf32, #tpu.memory_space<hbm>>
      tpu.wait_indirect_dma semaphore(%arg11 : memref<!tpu.dma_semaphore, #tpu.memory_space<semaphore_mem>>) src(%dma_wait3A_560 : memref<1000000x32xf32, #tpu.memory_space<hbm>>) dst(%dma_wait3A_555 : memref<256x32xf32, #tpu.memory_space<vmem>>)
      %ge3A_561 = arith.constant 1 : i32
      %ge3A_562 = arith.cmpi sge, %scan3A_305, %ge3A_561 : i32
      %convert_element_type3A_563 = arith.extui %ge3A_562 : i1 to i32
      %cond3A_564 = arith.constant 0 : i32
      %cond3A_565 = arith.cmpi ne, %convert_element_type3A_563, %cond3A_564 : i32
      scf.if %cond3A_565 {
        %dma_wait3A_799 = arith.constant 2 : i32
        %dma_wait3A_800 = arith.constant 0 : i32
        %dma_wait3A_801 = arith.constant 0 : i32
        %dma_wait3A_802 = arith.constant 0 : i32
        %dma_wait3A_803 = tpu.memref_slice %arg7[%dma_wait3A_799, %dma_wait3A_802] : memref<4x8192xf32, #tpu.memory_space<vmem>> -> memref<1x2048xf32, #tpu.memory_space<vmem>>
        %dma_wait3A_804 = tpu.memref_squeeze %dma_wait3A_803 : memref<1x2048xf32, #tpu.memory_space<vmem>> -> memref<2048xf32, #tpu.memory_space<vmem>>
        %dma_wait3A_805 = arith.constant 0 : i32
        %dma_wait3A_806 = tpu.memref_slice %arg4[%dma_wait3A_800, %dma_wait3A_801, %dma_wait3A_805] : memref<200x4x32768xf32, #tpu.memory_space<hbm>> -> memref<1x1x2048xf32, #tpu.memory_space<hbm>>
        %dma_wait3A_807 = tpu.memref_squeeze %dma_wait3A_806 : memref<1x1x2048xf32, #tpu.memory_space<hbm>> -> memref<2048xf32, #tpu.memory_space<hbm>>
        %dma_wait3A_808 = arith.constant 0 : i32
        %dma_wait3A_809 = tpu.memref_slice %arg4[%dma_wait3A_800, %dma_wait3A_801, %dma_wait3A_808] : memref<200x4x32768xf32, #tpu.memory_space<hbm>> -> memref<1x1x2048xf32, #tpu.memory_space<hbm>>
        %dma_wait3A_810 = tpu.memref_squeeze %dma_wait3A_809 : memref<1x1x2048xf32, #tpu.memory_space<hbm>> -> memref<2048xf32, #tpu.memory_space<hbm>>
        %dma_wait3A_811 = arith.constant 0 : i32
        %dma_wait3A_812 = tpu.memref_slice %arg7[%dma_wait3A_799, %dma_wait3A_811] : memref<4x8192xf32, #tpu.memory_space<vmem>> -> memref<1x2048xf32, #tpu.memory_space<vmem>>
        %dma_wait3A_813 = tpu.memref_squeeze %dma_wait3A_812 : memref<1x2048xf32, #tpu.memory_space<vmem>> -> memref<2048xf32, #tpu.memory_space<vmem>>
        tpu.wait_dma2 semaphore(%arg15 : memref<!tpu.dma_semaphore, #tpu.memory_space<semaphore_mem>>) src(%dma_wait3A_813 : memref<2048xf32, #tpu.memory_space<vmem>>) dst(%dma_wait3A_810 : memref<2048xf32, #tpu.memory_space<hbm>>)
        %dma_wait3A_814 = arith.constant 2 : i32
        %dma_wait3A_815 = arith.constant 0 : i32
        %dma_wait3A_816 = arith.constant 0 : i32
        %dma_wait3A_817 = arith.constant 2048 : i32
        %dma_wait3A_818 = tpu.memref_slice %arg7[%dma_wait3A_814, %dma_wait3A_817] : memref<4x8192xf32, #tpu.memory_space<vmem>> -> memref<1x2048xf32, #tpu.memory_space<vmem>>
        %dma_wait3A_819 = tpu.memref_squeeze %dma_wait3A_818 : memref<1x2048xf32, #tpu.memory_space<vmem>> -> memref<2048xf32, #tpu.memory_space<vmem>>
        %dma_wait3A_820 = arith.constant 0 : i32
        %dma_wait3A_821 = tpu.memref_slice %arg4[%dma_wait3A_815, %dma_wait3A_816, %dma_wait3A_820] : memref<200x4x32768xf32, #tpu.memory_space<hbm>> -> memref<1x1x2048xf32, #tpu.memory_space<hbm>>
        %dma_wait3A_822 = tpu.memref_squeeze %dma_wait3A_821 : memref<1x1x2048xf32, #tpu.memory_space<hbm>> -> memref<2048xf32, #tpu.memory_space<hbm>>
        %dma_wait3A_823 = arith.constant 0 : i32
        %dma_wait3A_824 = tpu.memref_slice %arg4[%dma_wait3A_815, %dma_wait3A_816, %dma_wait3A_823] : memref<200x4x32768xf32, #tpu.memory_space<hbm>> -> memref<1x1x2048xf32, #tpu.memory_space<hbm>>
        %dma_wait3A_825 = tpu.memref_squeeze %dma_wait3A_824 : memref<1x1x2048xf32, #tpu.memory_space<hbm>> -> memref<2048xf32, #tpu.memory_space<hbm>>
        %dma_wait3A_826 = arith.constant 2048 : i32
        %dma_wait3A_827 = tpu.memref_slice %arg7[%dma_wait3A_814, %dma_wait3A_826] : memref<4x8192xf32, #tpu.memory_space<vmem>> -> memref<1x2048xf32, #tpu.memory_space<vmem>>
        %dma_wait3A_828 = tpu.memref_squeeze %dma_wait3A_827 : memref<1x2048xf32, #tpu.memory_space<vmem>> -> memref<2048xf32, #tpu.memory_space<vmem>>
        tpu.wait_dma2 semaphore(%arg15 : memref<!tpu.dma_semaphore, #tpu.memory_space<semaphore_mem>>) src(%dma_wait3A_828 : memref<2048xf32, #tpu.memory_space<vmem>>) dst(%dma_wait3A_825 : memref<2048xf32, #tpu.memory_space<hbm>>)
        %dma_wait3A_829 = arith.constant 2 : i32
        %dma_wait3A_830 = arith.constant 0 : i32
        %dma_wait3A_831 = arith.constant 0 : i32
        %dma_wait3A_832 = arith.constant 4096 : i32
        %dma_wait3A_833 = tpu.memref_slice %arg7[%dma_wait3A_829, %dma_wait3A_832] : memref<4x8192xf32, #tpu.memory_space<vmem>> -> memref<1x2048xf32, #tpu.memory_space<vmem>>
        %dma_wait3A_834 = tpu.memref_squeeze %dma_wait3A_833 : memref<1x2048xf32, #tpu.memory_space<vmem>> -> memref<2048xf32, #tpu.memory_space<vmem>>
        %dma_wait3A_835 = arith.constant 0 : i32
        %dma_wait3A_836 = tpu.memref_slice %arg4[%dma_wait3A_830, %dma_wait3A_831, %dma_wait3A_835] : memref<200x4x32768xf32, #tpu.memory_space<hbm>> -> memref<1x1x2048xf32, #tpu.memory_space<hbm>>
        %dma_wait3A_837 = tpu.memref_squeeze %dma_wait3A_836 : memref<1x1x2048xf32, #tpu.memory_space<hbm>> -> memref<2048xf32, #tpu.memory_space<hbm>>
        %dma_wait3A_838 = arith.constant 0 : i32
        %dma_wait3A_839 = tpu.memref_slice %arg4[%dma_wait3A_830, %dma_wait3A_831, %dma_wait3A_838] : memref<200x4x32768xf32, #tpu.memory_space<hbm>> -> memref<1x1x2048xf32, #tpu.memory_space<hbm>>
        %dma_wait3A_840 = tpu.memref_squeeze %dma_wait3A_839 : memref<1x1x2048xf32, #tpu.memory_space<hbm>> -> memref<2048xf32, #tpu.memory_space<hbm>>
        %dma_wait3A_841 = arith.constant 4096 : i32
        %dma_wait3A_842 = tpu.memref_slice %arg7[%dma_wait3A_829, %dma_wait3A_841] : memref<4x8192xf32, #tpu.memory_space<vmem>> -> memref<1x2048xf32, #tpu.memory_space<vmem>>
        %dma_wait3A_843 = tpu.memref_squeeze %dma_wait3A_842 : memref<1x2048xf32, #tpu.memory_space<vmem>> -> memref<2048xf32, #tpu.memory_space<vmem>>
        tpu.wait_dma2 semaphore(%arg15 : memref<!tpu.dma_semaphore, #tpu.memory_space<semaphore_mem>>) src(%dma_wait3A_843 : memref<2048xf32, #tpu.memory_space<vmem>>) dst(%dma_wait3A_840 : memref<2048xf32, #tpu.memory_space<hbm>>)
        %dma_wait3A_844 = arith.constant 2 : i32
        %dma_wait3A_845 = arith.constant 0 : i32
        %dma_wait3A_846 = arith.constant 0 : i32
        %dma_wait3A_847 = arith.constant 6144 : i32
        %dma_wait3A_848 = tpu.memref_slice %arg7[%dma_wait3A_844, %dma_wait3A_847] : memref<4x8192xf32, #tpu.memory_space<vmem>> -> memref<1x2048xf32, #tpu.memory_space<vmem>>
        %dma_wait3A_849 = tpu.memref_squeeze %dma_wait3A_848 : memref<1x2048xf32, #tpu.memory_space<vmem>> -> memref<2048xf32, #tpu.memory_space<vmem>>
        %dma_wait3A_850 = arith.constant 0 : i32
        %dma_wait3A_851 = tpu.memref_slice %arg4[%dma_wait3A_845, %dma_wait3A_846, %dma_wait3A_850] : memref<200x4x32768xf32, #tpu.memory_space<hbm>> -> memref<1x1x2048xf32, #tpu.memory_space<hbm>>
        %dma_wait3A_852 = tpu.memref_squeeze %dma_wait3A_851 : memref<1x1x2048xf32, #tpu.memory_space<hbm>> -> memref<2048xf32, #tpu.memory_space<hbm>>
        %dma_wait3A_853 = arith.constant 0 : i32
        %dma_wait3A_854 = tpu.memref_slice %arg4[%dma_wait3A_845, %dma_wait3A_846, %dma_wait3A_853] : memref<200x4x32768xf32, #tpu.memory_space<hbm>> -> memref<1x1x2048xf32, #tpu.memory_space<hbm>>
        %dma_wait3A_855 = tpu.memref_squeeze %dma_wait3A_854 : memref<1x1x2048xf32, #tpu.memory_space<hbm>> -> memref<2048xf32, #tpu.memory_space<hbm>>
        %dma_wait3A_856 = arith.constant 6144 : i32
        %dma_wait3A_857 = tpu.memref_slice %arg7[%dma_wait3A_844, %dma_wait3A_856] : memref<4x8192xf32, #tpu.memory_space<vmem>> -> memref<1x2048xf32, #tpu.memory_space<vmem>>
        %dma_wait3A_858 = tpu.memref_squeeze %dma_wait3A_857 : memref<1x2048xf32, #tpu.memory_space<vmem>> -> memref<2048xf32, #tpu.memory_space<vmem>>
        tpu.wait_dma2 semaphore(%arg15 : memref<!tpu.dma_semaphore, #tpu.memory_space<semaphore_mem>>) src(%dma_wait3A_858 : memref<2048xf32, #tpu.memory_space<vmem>>) dst(%dma_wait3A_855 : memref<2048xf32, #tpu.memory_space<hbm>>)
      } else {
      }
      %parallel_loop3A_566 = arith.constant 0 : i32
      %parallel_loop3A_567 = arith.constant 256 : i32
      %parallel_loop3A_568 = arith.constant 1 : i32
      scf.for %parallel_loop3A_799 = %parallel_loop3A_566 to %parallel_loop3A_567 step %parallel_loop3A_568  : i32 {
        %parallel_loop3A_800 = arith.constant 7 : i32
        %parallel_loop3A_801 = arith.shrsi %parallel_loop3A_799, %parallel_loop3A_800 : i32
        %parallel_loop3A_802 = arith.constant 1024 : i32
        %parallel_loop3A_803 = arith.muli %parallel_loop3A_801, %parallel_loop3A_802 : i32
        %parallel_loop3A_804 = arith.constant 127 : i32
        %parallel_loop3A_805 = arith.andi %parallel_loop3A_799, %parallel_loop3A_804 : i32
        %parallel_loop3A_806 = arith.addi %parallel_loop3A_803, %parallel_loop3A_805 : i32
        %parallel_loop3A_807 = vector.broadcast %parallel_loop3A_806 : i32 to vector<16xi32>
        %parallel_loop3A_808 = arith.addi %select_n3A, %parallel_loop3A_807 : vector<16xi32>
        %parallel_loop3A_809 = arith.constant 2 : i32
        %parallel_loop3A_810 = arith.index_cast %parallel_loop3A_809 : i32 to index
        %parallel_loop3A_811 = arith.index_cast %parallel_loop3A_799 : i32 to index
        %parallel_loop3A_812 = arith.constant 0 : index
        %parallel_loop3A_813 = tpu.vector_load %arg6[%parallel_loop3A_810, %parallel_loop3A_811, %parallel_loop3A_812] {strides = array<i32>} : memref<4x256x32xf32, #tpu.memory_space<vmem>>, vector<16xf32>,
        %parallel_loop3A_814 = arith.constant 2 : i32
        %parallel_loop3A_815 = arith.constant 0 : i32
        %parallel_loop3A_816 = tpu.memref_slice %arg7[%parallel_loop3A_814, %parallel_loop3A_815] : memref<4x8192xf32, #tpu.memory_space<vmem>> -> memref<1x8192xf32, #tpu.memory_space<vmem>>
        %parallel_loop3A_817 = tpu.memref_squeeze %parallel_loop3A_816 : memref<1x8192xf32, #tpu.memory_space<vmem>> -> memref<8192xf32, #tpu.memory_space<vmem>>
        tpu.vector_store_idx %parallel_loop3A_817[%parallel_loop3A_808], %parallel_loop3A_813 : memref<8192xf32, #tpu.memory_space<vmem>>[vector<16xi32>], vector<16xf32>,
        %parallel_loop3A_818 = arith.constant 4096 : i32
        %parallel_loop3A_819 = vector.broadcast %parallel_loop3A_818 : i32 to vector<16xi32>
        %parallel_loop3A_820 = arith.addi %parallel_loop3A_808, %parallel_loop3A_819 : vector<16xi32>
        %parallel_loop3A_821 = arith.constant 2 : i32
        %parallel_loop3A_822 = arith.index_cast %parallel_loop3A_821 : i32 to index
        %parallel_loop3A_823 = arith.index_cast %parallel_loop3A_799 : i32 to index
        %parallel_loop3A_824 = arith.constant 16 : index
        %parallel_loop3A_825 = tpu.vector_load %arg6[%parallel_loop3A_822, %parallel_loop3A_823, %parallel_loop3A_824] {strides = array<i32>} : memref<4x256x32xf32, #tpu.memory_space<vmem>>, vector<16xf32>,
        %parallel_loop3A_826 = arith.constant 2 : i32
        %parallel_loop3A_827 = arith.constant 0 : i32
        %parallel_loop3A_828 = tpu.memref_slice %arg7[%parallel_loop3A_826, %parallel_loop3A_827] : memref<4x8192xf32, #tpu.memory_space<vmem>> -> memref<1x8192xf32, #tpu.memory_space<vmem>>
        %parallel_loop3A_829 = tpu.memref_squeeze %parallel_loop3A_828 : memref<1x8192xf32, #tpu.memory_space<vmem>> -> memref<8192xf32, #tpu.memory_space<vmem>>
        tpu.vector_store_idx %parallel_loop3A_829[%parallel_loop3A_820], %parallel_loop3A_825 : memref<8192xf32, #tpu.memory_space<vmem>>[vector<16xi32>], vector<16xf32>,
      } {sc.loop_unroll_factor = 8 : i64, sc.parallel_access}
      %add3A_569 = arith.addi %mul3A_2, %add3A_550 : i32
      %jit3A_570 = arith.constant 16 : i32
      %div3A_571 = arith.divsi %add3A_569, %jit3A_570 : i32
      %sign3A_572 = arith.constant 0 : i32
      %sign3A_573 = arith.cmpi sgt, %add3A_569, %sign3A_572 : i32
      %sign3A_574 = arith.extui %sign3A_573 : i1 to i32
      %sign3A_575 = arith.constant 0 : i32
      %sign3A_576 = arith.cmpi slt, %add3A_569, %sign3A_575 : i32
      %sign3A_577 = arith.extui %sign3A_576 : i1 to i32
      %sign3A_578 = arith.subi %sign3A_574, %sign3A_577 : i32
      %sign3A_579 = arith.constant 0 : i32
      %sign3A_580 = arith.cmpi sgt, %jit3A_570, %sign3A_579 : i32
      %sign3A_581 = arith.extui %sign3A_580 : i1 to i32
      %sign3A_582 = arith.constant 0 : i32
      %sign3A_583 = arith.cmpi slt, %jit3A_570, %sign3A_582 : i32
      %sign3A_584 = arith.extui %sign3A_583 : i1 to i32
      %sign3A_585 = arith.subi %sign3A_581, %sign3A_584 : i32
      %ne3A_586 = arith.cmpi ne, %sign3A_578, %sign3A_585 : i32
      %rem3A_587 = arith.remsi %add3A_569, %jit3A_570 : i32
      %ne3A_588 = arith.constant 0 : i32
      %ne3A_589 = arith.cmpi ne, %rem3A_587, %ne3A_588 : i32
      %and3A_590 = arith.andi %ne3A_586, %ne3A_589 : i1
      %sub3A_591 = arith.constant 1 : i32
      %sub3A_592 = arith.subi %div3A_571, %sub3A_591 : i32
      %select_n3A_593 = arith.select %and3A_590, %sub3A_592, %div3A_571 : i32
      %jit3A_594 = arith.constant 16 : i32
      %eq3A_595 = arith.constant 0 : i32
      %eq3A_596 = arith.cmpi eq, %jit3A_594, %eq3A_595 : i32
      %jit3A_597 = arith.constant 1 : i32
      %select_n3A_598 = arith.select %eq3A_596, %jit3A_597, %jit3A_594 : i32
      %rem3A_599 = arith.remsi %add3A_569, %select_n3A_598 : i32
      %ne3A_600 = arith.constant 0 : i32
      %ne3A_601 = arith.cmpi ne, %rem3A_599, %ne3A_600 : i32
      %lt3A_602 = arith.constant 0 : i32
      %lt3A_603 = arith.cmpi slt, %rem3A_599, %lt3A_602 : i32
      %lt3A_604 = arith.constant 0 : i32
      %lt3A_605 = arith.cmpi slt, %select_n3A_598, %lt3A_604 : i32
      %ne3A_606 = arith.xori %lt3A_603, %lt3A_605 : i1
      %and3A_607 = arith.andi %ne3A_606, %ne3A_601 : i1
      %add3A_608 = arith.addi %rem3A_599, %select_n3A_598 : i32
      %select_n3A_609 = arith.select %and3A_607, %add3A_608, %rem3A_599 : i32
      %mul3A_610 = arith.constant 256 : i32
      %mul3A_611 = arith.muli %select_n3A_609, %mul3A_610 : i32
      %mul3A_612 = arith.constant 8 : i32
      %mul3A_613 = arith.muli %mul3A_611, %mul3A_612 : i32
      %dma_start3A_614 = arith.constant 2 : i32
      %dma_start3A_615 = arith.constant 0 : i32
      %dma_start3A_616 = arith.constant 0 : i32
      %dma_start3A_617 = tpu.memref_slice %arg7[%dma_start3A_614, %dma_start3A_616] : memref<4x8192xf32, #tpu.memory_space<vmem>> -> memref<1x2048xf32, #tpu.memory_space<vmem>>
      %dma_start3A_618 = tpu.memref_squeeze %dma_start3A_617 : memref<1x2048xf32, #tpu.memory_space<vmem>> -> memref<2048xf32, #tpu.memory_space<vmem>>
      %dma_start3A_619 = tpu.memref_slice %arg4[%select_n3A_593, %dma_start3A_615, %mul3A_613] : memref<200x4x32768xf32, #tpu.memory_space<hbm>> -> memref<1x1x2048xf32, #tpu.memory_space<hbm>>
      %dma_start3A_620 = tpu.memref_squeeze %dma_start3A_619 : memref<1x1x2048xf32, #tpu.memory_space<hbm>> -> memref<2048xf32, #tpu.memory_space<hbm>>
      %dma_start3A_621 = tpu.memref_slice %arg4[%select_n3A_593, %dma_start3A_615, %mul3A_613] : memref<200x4x32768xf32, #tpu.memory_space<hbm>> -> memref<1x1x2048xf32, #tpu.memory_space<hbm>>
      %dma_start3A_622 = tpu.memref_squeeze %dma_start3A_621 : memref<1x1x2048xf32, #tpu.memory_space<hbm>> -> memref<2048xf32, #tpu.memory_space<hbm>>
      %dma_start3A_623 = arith.constant 0 : i32
      %dma_start3A_624 = tpu.memref_slice %arg7[%dma_start3A_614, %dma_start3A_623] : memref<4x8192xf32, #tpu.memory_space<vmem>> -> memref<1x2048xf32, #tpu.memory_space<vmem>>
      %dma_start3A_625 = tpu.memref_squeeze %dma_start3A_624 : memref<1x2048xf32, #tpu.memory_space<vmem>> -> memref<2048xf32, #tpu.memory_space<vmem>>
      tpu.enqueue_dma source(%dma_start3A_625 : memref<2048xf32, #tpu.memory_space<vmem>>) target(%dma_start3A_622 : memref<2048xf32, #tpu.memory_space<hbm>>) target_semaphore(%arg15 : memref<!tpu.dma_semaphore, #tpu.memory_space<semaphore_mem>>)
      %mul3A_626 = arith.constant 8 : i32
      %mul3A_627 = arith.muli %mul3A_611, %mul3A_626 : i32
      %dma_start3A_628 = arith.constant 2 : i32
      %dma_start3A_629 = arith.constant 1 : i32
      %dma_start3A_630 = arith.constant 2048 : i32
      %dma_start3A_631 = tpu.memref_slice %arg7[%dma_start3A_628, %dma_start3A_630] : memref<4x8192xf32, #tpu.memory_space<vmem>> -> memref<1x2048xf32, #tpu.memory_space<vmem>>
      %dma_start3A_632 = tpu.memref_squeeze %dma_start3A_631 : memref<1x2048xf32, #tpu.memory_space<vmem>> -> memref<2048xf32, #tpu.memory_space<vmem>>
      %dma_start3A_633 = tpu.memref_slice %arg4[%select_n3A_593, %dma_start3A_629, %mul3A_627] : memref<200x4x32768xf32, #tpu.memory_space<hbm>> -> memref<1x1x2048xf32, #tpu.memory_space<hbm>>
      %dma_start3A_634 = tpu.memref_squeeze %dma_start3A_633 : memref<1x1x2048xf32, #tpu.memory_space<hbm>> -> memref<2048xf32, #tpu.memory_space<hbm>>
      %dma_start3A_635 = tpu.memref_slice %arg4[%select_n3A_593, %dma_start3A_629, %mul3A_627] : memref<200x4x32768xf32, #tpu.memory_space<hbm>> -> memref<1x1x2048xf32, #tpu.memory_space<hbm>>
      %dma_start3A_636 = tpu.memref_squeeze %dma_start3A_635 : memref<1x1x2048xf32, #tpu.memory_space<hbm>> -> memref<2048xf32, #tpu.memory_space<hbm>>
      %dma_start3A_637 = arith.constant 2048 : i32
      %dma_start3A_638 = tpu.memref_slice %arg7[%dma_start3A_628, %dma_start3A_637] : memref<4x8192xf32, #tpu.memory_space<vmem>> -> memref<1x2048xf32, #tpu.memory_space<vmem>>
      %dma_start3A_639 = tpu.memref_squeeze %dma_start3A_638 : memref<1x2048xf32, #tpu.memory_space<vmem>> -> memref<2048xf32, #tpu.memory_space<vmem>>
      tpu.enqueue_dma source(%dma_start3A_639 : memref<2048xf32, #tpu.memory_space<vmem>>) target(%dma_start3A_636 : memref<2048xf32, #tpu.memory_space<hbm>>) target_semaphore(%arg15 : memref<!tpu.dma_semaphore, #tpu.memory_space<semaphore_mem>>)
      %mul3A_640 = arith.constant 8 : i32
      %mul3A_641 = arith.muli %mul3A_611, %mul3A_640 : i32
      %dma_start3A_642 = arith.constant 2 : i32
      %dma_start3A_643 = arith.constant 2 : i32
      %dma_start3A_644 = arith.constant 4096 : i32
      %dma_start3A_645 = tpu.memref_slice %arg7[%dma_start3A_642, %dma_start3A_644] : memref<4x8192xf32, #tpu.memory_space<vmem>> -> memref<1x2048xf32, #tpu.memory_space<vmem>>
      %dma_start3A_646 = tpu.memref_squeeze %dma_start3A_645 : memref<1x2048xf32, #tpu.memory_space<vmem>> -> memref<2048xf32, #tpu.memory_space<vmem>>
      %dma_start3A_647 = tpu.memref_slice %arg4[%select_n3A_593, %dma_start3A_643, %mul3A_641] : memref<200x4x32768xf32, #tpu.memory_space<hbm>> -> memref<1x1x2048xf32, #tpu.memory_space<hbm>>
      %dma_start3A_648 = tpu.memref_squeeze %dma_start3A_647 : memref<1x1x2048xf32, #tpu.memory_space<hbm>> -> memref<2048xf32, #tpu.memory_space<hbm>>
      %dma_start3A_649 = tpu.memref_slice %arg4[%select_n3A_593, %dma_start3A_643, %mul3A_641] : memref<200x4x32768xf32, #tpu.memory_space<hbm>> -> memref<1x1x2048xf32, #tpu.memory_space<hbm>>
      %dma_start3A_650 = tpu.memref_squeeze %dma_start3A_649 : memref<1x1x2048xf32, #tpu.memory_space<hbm>> -> memref<2048xf32, #tpu.memory_space<hbm>>
      %dma_start3A_651 = arith.constant 4096 : i32
      %dma_start3A_652 = tpu.memref_slice %arg7[%dma_start3A_642, %dma_start3A_651] : memref<4x8192xf32, #tpu.memory_space<vmem>> -> memref<1x2048xf32, #tpu.memory_space<vmem>>
      %dma_start3A_653 = tpu.memref_squeeze %dma_start3A_652 : memref<1x2048xf32, #tpu.memory_space<vmem>> -> memref<2048xf32, #tpu.memory_space<vmem>>
      tpu.enqueue_dma source(%dma_start3A_653 : memref<2048xf32, #tpu.memory_space<vmem>>) target(%dma_start3A_650 : memref<2048xf32, #tpu.memory_space<hbm>>) target_semaphore(%arg15 : memref<!tpu.dma_semaphore, #tpu.memory_space<semaphore_mem>>)
      %mul3A_654 = arith.constant 8 : i32
      %mul3A_655 = arith.muli %mul3A_611, %mul3A_654 : i32
      %dma_start3A_656 = arith.constant 2 : i32
      %dma_start3A_657 = arith.constant 3 : i32
      %dma_start3A_658 = arith.constant 6144 : i32
      %dma_start3A_659 = tpu.memref_slice %arg7[%dma_start3A_656, %dma_start3A_658] : memref<4x8192xf32, #tpu.memory_space<vmem>> -> memref<1x2048xf32, #tpu.memory_space<vmem>>
      %dma_start3A_660 = tpu.memref_squeeze %dma_start3A_659 : memref<1x2048xf32, #tpu.memory_space<vmem>> -> memref<2048xf32, #tpu.memory_space<vmem>>
      %dma_start3A_661 = tpu.memref_slice %arg4[%select_n3A_593, %dma_start3A_657, %mul3A_655] : memref<200x4x32768xf32, #tpu.memory_space<hbm>> -> memref<1x1x2048xf32, #tpu.memory_space<hbm>>
      %dma_start3A_662 = tpu.memref_squeeze %dma_start3A_661 : memref<1x1x2048xf32, #tpu.memory_space<hbm>> -> memref<2048xf32, #tpu.memory_space<hbm>>
      %dma_start3A_663 = tpu.memref_slice %arg4[%select_n3A_593, %dma_start3A_657, %mul3A_655] : memref<200x4x32768xf32, #tpu.memory_space<hbm>> -> memref<1x1x2048xf32, #tpu.memory_space<hbm>>
      %dma_start3A_664 = tpu.memref_squeeze %dma_start3A_663 : memref<1x1x2048xf32, #tpu.memory_space<hbm>> -> memref<2048xf32, #tpu.memory_space<hbm>>
      %dma_start3A_665 = arith.constant 6144 : i32
      %dma_start3A_666 = tpu.memref_slice %arg7[%dma_start3A_656, %dma_start3A_665] : memref<4x8192xf32, #tpu.memory_space<vmem>> -> memref<1x2048xf32, #tpu.memory_space<vmem>>
      %dma_start3A_667 = tpu.memref_squeeze %dma_start3A_666 : memref<1x2048xf32, #tpu.memory_space<vmem>> -> memref<2048xf32, #tpu.memory_space<vmem>>
      tpu.enqueue_dma source(%dma_start3A_667 : memref<2048xf32, #tpu.memory_space<vmem>>) target(%dma_start3A_664 : memref<2048xf32, #tpu.memory_space<hbm>>) target_semaphore(%arg15 : memref<!tpu.dma_semaphore, #tpu.memory_space<semaphore_mem>>)
      %lt3A_668 = arith.constant 24 : i32
      %lt3A_669 = arith.cmpi slt, %scan3A_305, %lt3A_668 : i32
      %convert_element_type3A_670 = arith.extui %lt3A_669 : i1 to i32
      %cond3A_671 = arith.constant 0 : i32
      %cond3A_672 = arith.cmpi ne, %convert_element_type3A_670, %cond3A_671 : i32
      scf.if %cond3A_672 {
        %add3A_799 = arith.constant 4 : i32
        %add3A_800 = arith.addi %add3A_550, %add3A_799 : i32
        %mul3A_801 = arith.constant 256 : i32
        %mul3A_802 = arith.muli %add3A_800, %mul3A_801 : i32
        %dma_start3A_803 = arith.constant 2 : i32
        %dma_start3A_804 = arith.constant 0 : i32
        %dma_start3A_805 = arith.constant 0 : i32
        %dma_start3A_806 = tpu.memref_slice %arg6[%dma_start3A_803, %dma_start3A_804, %dma_start3A_805] : memref<4x256x32xf32, #tpu.memory_space<vmem>> -> memref<1x256x32xf32, #tpu.memory_space<vmem>>
        %dma_start3A_807 = tpu.memref_squeeze %dma_start3A_806 : memref<1x256x32xf32, #tpu.memory_space<vmem>> -> memref<256x32xf32, #tpu.memory_space<vmem>>
        %dma_start3A_808 = tpu.memref_slice %arg5[%mul3A_802] : memref<25600xi32, #tpu.memory_space<vmem>> -> memref<256xi32, #tpu.memory_space<vmem>>
        %dma_start3A_809 = arith.constant 0 : i32
        %dma_start3A_810 = arith.constant 0 : i32
        %dma_start3A_811 = tpu.memref_slice %arg3[%dma_start3A_809, %dma_start3A_810] : memref<1000000x32xf32, #tpu.memory_space<hbm>> -> memref<1000000x32xf32, #tpu.memory_space<hbm>>
        tpu.enqueue_indirect_dma source(%dma_start3A_811 : memref<1000000x32xf32, #tpu.memory_space<hbm>>) target(%dma_start3A_807 : memref<256x32xf32, #tpu.memory_space<vmem>>) offsets(%dma_start3A_808 : memref<256xi32, #tpu.memory_space<vmem>>) semaphore(%arg11 : memref<!tpu.dma_semaphore, #tpu.memory_space<semaphore_mem>>)
      } else {
      }
      %mul3A_673 = arith.constant 4 : i32
      %mul3A_674 = arith.muli %mul3A_673, %scan3A_305 : i32
      %add3A_675 = arith.constant 3 : i32
      %add3A_676 = arith.addi %mul3A_674, %add3A_675 : i32
      %dma_wait3A_677 = arith.constant 3 : i32
      %dma_wait3A_678 = arith.constant 0 : i32
      %dma_wait3A_679 = arith.constant 0 : i32
      %dma_wait3A_680 = tpu.memref_slice %arg6[%dma_wait3A_677, %dma_wait3A_678, %dma_wait3A_679] : memref<4x256x32xf32, #tpu.memory_space<vmem>> -> memref<1x256x32xf32, #tpu.memory_space<vmem>>
      %dma_wait3A_681 = tpu.memref_squeeze %dma_wait3A_680 : memref<1x256x32xf32, #tpu.memory_space<vmem>> -> memref<256x32xf32, #tpu.memory_space<vmem>>
      %dma_wait3A_682 = arith.constant 0 : i32
      %dma_wait3A_683 = tpu.memref_slice %arg5[%dma_wait3A_682] : memref<25600xi32, #tpu.memory_space<vmem>> -> memref<256xi32, #tpu.memory_space<vmem>>
      %dma_wait3A_684 = arith.constant 0 : i32
      %dma_wait3A_685 = arith.constant 0 : i32
      %dma_wait3A_686 = tpu.memref_slice %arg3[%dma_wait3A_684, %dma_wait3A_685] : memref<1000000x32xf32, #tpu.memory_space<hbm>> -> memref<1000000x32xf32, #tpu.memory_space<hbm>>
      tpu.wait_indirect_dma semaphore(%arg12 : memref<!tpu.dma_semaphore, #tpu.memory_space<semaphore_mem>>) src(%dma_wait3A_686 : memref<1000000x32xf32, #tpu.memory_space<hbm>>) dst(%dma_wait3A_681 : memref<256x32xf32, #tpu.memory_space<vmem>>)
      %ge3A_687 = arith.constant 1 : i32
      %ge3A_688 = arith.cmpi sge, %scan3A_305, %ge3A_687 : i32
      %convert_element_type3A_689 = arith.extui %ge3A_688 : i1 to i32
      %cond3A_690 = arith.constant 0 : i32
      %cond3A_691 = arith.cmpi ne, %convert_element_type3A_689, %cond3A_690 : i32
      scf.if %cond3A_691 {
        %dma_wait3A_799 = arith.constant 3 : i32
        %dma_wait3A_800 = arith.constant 0 : i32
        %dma_wait3A_801 = arith.constant 0 : i32
        %dma_wait3A_802 = arith.constant 0 : i32
        %dma_wait3A_803 = tpu.memref_slice %arg7[%dma_wait3A_799, %dma_wait3A_802] : memref<4x8192xf32, #tpu.memory_space<vmem>> -> memref<1x2048xf32, #tpu.memory_space<vmem>>
        %dma_wait3A_804 = tpu.memref_squeeze %dma_wait3A_803 : memref<1x2048xf32, #tpu.memory_space<vmem>> -> memref<2048xf32, #tpu.memory_space<vmem>>
        %dma_wait3A_805 = arith.constant 0 : i32
        %dma_wait3A_806 = tpu.memref_slice %arg4[%dma_wait3A_800, %dma_wait3A_801, %dma_wait3A_805] : memref<200x4x32768xf32, #tpu.memory_space<hbm>> -> memref<1x1x2048xf32, #tpu.memory_space<hbm>>
        %dma_wait3A_807 = tpu.memref_squeeze %dma_wait3A_806 : memref<1x1x2048xf32, #tpu.memory_space<hbm>> -> memref<2048xf32, #tpu.memory_space<hbm>>
        %dma_wait3A_808 = arith.constant 0 : i32
        %dma_wait3A_809 = tpu.memref_slice %arg4[%dma_wait3A_800, %dma_wait3A_801, %dma_wait3A_808] : memref<200x4x32768xf32, #tpu.memory_space<hbm>> -> memref<1x1x2048xf32, #tpu.memory_space<hbm>>
        %dma_wait3A_810 = tpu.memref_squeeze %dma_wait3A_809 : memref<1x1x2048xf32, #tpu.memory_space<hbm>> -> memref<2048xf32, #tpu.memory_space<hbm>>
        %dma_wait3A_811 = arith.constant 0 : i32
        %dma_wait3A_812 = tpu.memref_slice %arg7[%dma_wait3A_799, %dma_wait3A_811] : memref<4x8192xf32, #tpu.memory_space<vmem>> -> memref<1x2048xf32, #tpu.memory_space<vmem>>
        %dma_wait3A_813 = tpu.memref_squeeze %dma_wait3A_812 : memref<1x2048xf32, #tpu.memory_space<vmem>> -> memref<2048xf32, #tpu.memory_space<vmem>>
        tpu.wait_dma2 semaphore(%arg16 : memref<!tpu.dma_semaphore, #tpu.memory_space<semaphore_mem>>) src(%dma_wait3A_813 : memref<2048xf32, #tpu.memory_space<vmem>>) dst(%dma_wait3A_810 : memref<2048xf32, #tpu.memory_space<hbm>>)
        %dma_wait3A_814 = arith.constant 3 : i32
        %dma_wait3A_815 = arith.constant 0 : i32
        %dma_wait3A_816 = arith.constant 0 : i32
        %dma_wait3A_817 = arith.constant 2048 : i32
        %dma_wait3A_818 = tpu.memref_slice %arg7[%dma_wait3A_814, %dma_wait3A_817] : memref<4x8192xf32, #tpu.memory_space<vmem>> -> memref<1x2048xf32, #tpu.memory_space<vmem>>
        %dma_wait3A_819 = tpu.memref_squeeze %dma_wait3A_818 : memref<1x2048xf32, #tpu.memory_space<vmem>> -> memref<2048xf32, #tpu.memory_space<vmem>>
        %dma_wait3A_820 = arith.constant 0 : i32
        %dma_wait3A_821 = tpu.memref_slice %arg4[%dma_wait3A_815, %dma_wait3A_816, %dma_wait3A_820] : memref<200x4x32768xf32, #tpu.memory_space<hbm>> -> memref<1x1x2048xf32, #tpu.memory_space<hbm>>
        %dma_wait3A_822 = tpu.memref_squeeze %dma_wait3A_821 : memref<1x1x2048xf32, #tpu.memory_space<hbm>> -> memref<2048xf32, #tpu.memory_space<hbm>>
        %dma_wait3A_823 = arith.constant 0 : i32
        %dma_wait3A_824 = tpu.memref_slice %arg4[%dma_wait3A_815, %dma_wait3A_816, %dma_wait3A_823] : memref<200x4x32768xf32, #tpu.memory_space<hbm>> -> memref<1x1x2048xf32, #tpu.memory_space<hbm>>
        %dma_wait3A_825 = tpu.memref_squeeze %dma_wait3A_824 : memref<1x1x2048xf32, #tpu.memory_space<hbm>> -> memref<2048xf32, #tpu.memory_space<hbm>>
        %dma_wait3A_826 = arith.constant 2048 : i32
        %dma_wait3A_827 = tpu.memref_slice %arg7[%dma_wait3A_814, %dma_wait3A_826] : memref<4x8192xf32, #tpu.memory_space<vmem>> -> memref<1x2048xf32, #tpu.memory_space<vmem>>
        %dma_wait3A_828 = tpu.memref_squeeze %dma_wait3A_827 : memref<1x2048xf32, #tpu.memory_space<vmem>> -> memref<2048xf32, #tpu.memory_space<vmem>>
        tpu.wait_dma2 semaphore(%arg16 : memref<!tpu.dma_semaphore, #tpu.memory_space<semaphore_mem>>) src(%dma_wait3A_828 : memref<2048xf32, #tpu.memory_space<vmem>>) dst(%dma_wait3A_825 : memref<2048xf32, #tpu.memory_space<hbm>>)
        %dma_wait3A_829 = arith.constant 3 : i32
        %dma_wait3A_830 = arith.constant 0 : i32
        %dma_wait3A_831 = arith.constant 0 : i32
        %dma_wait3A_832 = arith.constant 4096 : i32
        %dma_wait3A_833 = tpu.memref_slice %arg7[%dma_wait3A_829, %dma_wait3A_832] : memref<4x8192xf32, #tpu.memory_space<vmem>> -> memref<1x2048xf32, #tpu.memory_space<vmem>>
        %dma_wait3A_834 = tpu.memref_squeeze %dma_wait3A_833 : memref<1x2048xf32, #tpu.memory_space<vmem>> -> memref<2048xf32, #tpu.memory_space<vmem>>
        %dma_wait3A_835 = arith.constant 0 : i32
        %dma_wait3A_836 = tpu.memref_slice %arg4[%dma_wait3A_830, %dma_wait3A_831, %dma_wait3A_835] : memref<200x4x32768xf32, #tpu.memory_space<hbm>> -> memref<1x1x2048xf32, #tpu.memory_space<hbm>>
        %dma_wait3A_837 = tpu.memref_squeeze %dma_wait3A_836 : memref<1x1x2048xf32, #tpu.memory_space<hbm>> -> memref<2048xf32, #tpu.memory_space<hbm>>
        %dma_wait3A_838 = arith.constant 0 : i32
        %dma_wait3A_839 = tpu.memref_slice %arg4[%dma_wait3A_830, %dma_wait3A_831, %dma_wait3A_838] : memref<200x4x32768xf32, #tpu.memory_space<hbm>> -> memref<1x1x2048xf32, #tpu.memory_space<hbm>>
        %dma_wait3A_840 = tpu.memref_squeeze %dma_wait3A_839 : memref<1x1x2048xf32, #tpu.memory_space<hbm>> -> memref<2048xf32, #tpu.memory_space<hbm>>
        %dma_wait3A_841 = arith.constant 4096 : i32
        %dma_wait3A_842 = tpu.memref_slice %arg7[%dma_wait3A_829, %dma_wait3A_841] : memref<4x8192xf32, #tpu.memory_space<vmem>> -> memref<1x2048xf32, #tpu.memory_space<vmem>>
        %dma_wait3A_843 = tpu.memref_squeeze %dma_wait3A_842 : memref<1x2048xf32, #tpu.memory_space<vmem>> -> memref<2048xf32, #tpu.memory_space<vmem>>
        tpu.wait_dma2 semaphore(%arg16 : memref<!tpu.dma_semaphore, #tpu.memory_space<semaphore_mem>>) src(%dma_wait3A_843 : memref<2048xf32, #tpu.memory_space<vmem>>) dst(%dma_wait3A_840 : memref<2048xf32, #tpu.memory_space<hbm>>)
        %dma_wait3A_844 = arith.constant 3 : i32
        %dma_wait3A_845 = arith.constant 0 : i32
        %dma_wait3A_846 = arith.constant 0 : i32
        %dma_wait3A_847 = arith.constant 6144 : i32
        %dma_wait3A_848 = tpu.memref_slice %arg7[%dma_wait3A_844, %dma_wait3A_847] : memref<4x8192xf32, #tpu.memory_space<vmem>> -> memref<1x2048xf32, #tpu.memory_space<vmem>>
        %dma_wait3A_849 = tpu.memref_squeeze %dma_wait3A_848 : memref<1x2048xf32, #tpu.memory_space<vmem>> -> memref<2048xf32, #tpu.memory_space<vmem>>
        %dma_wait3A_850 = arith.constant 0 : i32
        %dma_wait3A_851 = tpu.memref_slice %arg4[%dma_wait3A_845, %dma_wait3A_846, %dma_wait3A_850] : memref<200x4x32768xf32, #tpu.memory_space<hbm>> -> memref<1x1x2048xf32, #tpu.memory_space<hbm>>
        %dma_wait3A_852 = tpu.memref_squeeze %dma_wait3A_851 : memref<1x1x2048xf32, #tpu.memory_space<hbm>> -> memref<2048xf32, #tpu.memory_space<hbm>>
        %dma_wait3A_853 = arith.constant 0 : i32
        %dma_wait3A_854 = tpu.memref_slice %arg4[%dma_wait3A_845, %dma_wait3A_846, %dma_wait3A_853] : memref<200x4x32768xf32, #tpu.memory_space<hbm>> -> memref<1x1x2048xf32, #tpu.memory_space<hbm>>
        %dma_wait3A_855 = tpu.memref_squeeze %dma_wait3A_854 : memref<1x1x2048xf32, #tpu.memory_space<hbm>> -> memref<2048xf32, #tpu.memory_space<hbm>>
        %dma_wait3A_856 = arith.constant 6144 : i32
        %dma_wait3A_857 = tpu.memref_slice %arg7[%dma_wait3A_844, %dma_wait3A_856] : memref<4x8192xf32, #tpu.memory_space<vmem>> -> memref<1x2048xf32, #tpu.memory_space<vmem>>
        %dma_wait3A_858 = tpu.memref_squeeze %dma_wait3A_857 : memref<1x2048xf32, #tpu.memory_space<vmem>> -> memref<2048xf32, #tpu.memory_space<vmem>>
        tpu.wait_dma2 semaphore(%arg16 : memref<!tpu.dma_semaphore, #tpu.memory_space<semaphore_mem>>) src(%dma_wait3A_858 : memref<2048xf32, #tpu.memory_space<vmem>>) dst(%dma_wait3A_855 : memref<2048xf32, #tpu.memory_space<hbm>>)
      } else {
      }
      %parallel_loop3A_692 = arith.constant 0 : i32
      %parallel_loop3A_693 = arith.constant 256 : i32
      %parallel_loop3A_694 = arith.constant 1 : i32
      scf.for %parallel_loop3A_799 = %parallel_loop3A_692 to %parallel_loop3A_693 step %parallel_loop3A_694  : i32 {
        %parallel_loop3A_800 = arith.constant 7 : i32
        %parallel_loop3A_801 = arith.shrsi %parallel_loop3A_799, %parallel_loop3A_800 : i32
        %parallel_loop3A_802 = arith.constant 1024 : i32
        %parallel_loop3A_803 = arith.muli %parallel_loop3A_801, %parallel_loop3A_802 : i32
        %parallel_loop3A_804 = arith.constant 127 : i32
        %parallel_loop3A_805 = arith.andi %parallel_loop3A_799, %parallel_loop3A_804 : i32
        %parallel_loop3A_806 = arith.addi %parallel_loop3A_803, %parallel_loop3A_805 : i32
        %parallel_loop3A_807 = vector.broadcast %parallel_loop3A_806 : i32 to vector<16xi32>
        %parallel_loop3A_808 = arith.addi %select_n3A, %parallel_loop3A_807 : vector<16xi32>
        %parallel_loop3A_809 = arith.constant 3 : i32
        %parallel_loop3A_810 = arith.index_cast %parallel_loop3A_809 : i32 to index
        %parallel_loop3A_811 = arith.index_cast %parallel_loop3A_799 : i32 to index
        %parallel_loop3A_812 = arith.constant 0 : index
        %parallel_loop3A_813 = tpu.vector_load %arg6[%parallel_loop3A_810, %parallel_loop3A_811, %parallel_loop3A_812] {strides = array<i32>} : memref<4x256x32xf32, #tpu.memory_space<vmem>>, vector<16xf32>,
        %parallel_loop3A_814 = arith.constant 3 : i32
        %parallel_loop3A_815 = arith.constant 0 : i32
        %parallel_loop3A_816 = tpu.memref_slice %arg7[%parallel_loop3A_814, %parallel_loop3A_815] : memref<4x8192xf32, #tpu.memory_space<vmem>> -> memref<1x8192xf32, #tpu.memory_space<vmem>>
        %parallel_loop3A_817 = tpu.memref_squeeze %parallel_loop3A_816 : memref<1x8192xf32, #tpu.memory_space<vmem>> -> memref<8192xf32, #tpu.memory_space<vmem>>
        tpu.vector_store_idx %parallel_loop3A_817[%parallel_loop3A_808], %parallel_loop3A_813 : memref<8192xf32, #tpu.memory_space<vmem>>[vector<16xi32>], vector<16xf32>,
        %parallel_loop3A_818 = arith.constant 4096 : i32
        %parallel_loop3A_819 = vector.broadcast %parallel_loop3A_818 : i32 to vector<16xi32>
        %parallel_loop3A_820 = arith.addi %parallel_loop3A_808, %parallel_loop3A_819 : vector<16xi32>
        %parallel_loop3A_821 = arith.constant 3 : i32
        %parallel_loop3A_822 = arith.index_cast %parallel_loop3A_821 : i32 to index
        %parallel_loop3A_823 = arith.index_cast %parallel_loop3A_799 : i32 to index
        %parallel_loop3A_824 = arith.constant 16 : index
        %parallel_loop3A_825 = tpu.vector_load %arg6[%parallel_loop3A_822, %parallel_loop3A_823, %parallel_loop3A_824] {strides = array<i32>} : memref<4x256x32xf32, #tpu.memory_space<vmem>>, vector<16xf32>,
        %parallel_loop3A_826 = arith.constant 3 : i32
        %parallel_loop3A_827 = arith.constant 0 : i32
        %parallel_loop3A_828 = tpu.memref_slice %arg7[%parallel_loop3A_826, %parallel_loop3A_827] : memref<4x8192xf32, #tpu.memory_space<vmem>> -> memref<1x8192xf32, #tpu.memory_space<vmem>>
        %parallel_loop3A_829 = tpu.memref_squeeze %parallel_loop3A_828 : memref<1x8192xf32, #tpu.memory_space<vmem>> -> memref<8192xf32, #tpu.memory_space<vmem>>
        tpu.vector_store_idx %parallel_loop3A_829[%parallel_loop3A_820], %parallel_loop3A_825 : memref<8192xf32, #tpu.memory_space<vmem>>[vector<16xi32>], vector<16xf32>,
      } {sc.loop_unroll_factor = 8 : i64, sc.parallel_access}
      %add3A_695 = arith.addi %mul3A_2, %add3A_676 : i32
      %jit3A_696 = arith.constant 16 : i32
      %div3A_697 = arith.divsi %add3A_695, %jit3A_696 : i32
      %sign3A_698 = arith.constant 0 : i32
      %sign3A_699 = arith.cmpi sgt, %add3A_695, %sign3A_698 : i32
      %sign3A_700 = arith.extui %sign3A_699 : i1 to i32
      %sign3A_701 = arith.constant 0 : i32
      %sign3A_702 = arith.cmpi slt, %add3A_695, %sign3A_701 : i32
      %sign3A_703 = arith.extui %sign3A_702 : i1 to i32
      %sign3A_704 = arith.subi %sign3A_700, %sign3A_703 : i32
      %sign3A_705 = arith.constant 0 : i32
      %sign3A_706 = arith.cmpi sgt, %jit3A_696, %sign3A_705 : i32
      %sign3A_707 = arith.extui %sign3A_706 : i1 to i32
      %sign3A_708 = arith.constant 0 : i32
      %sign3A_709 = arith.cmpi slt, %jit3A_696, %sign3A_708 : i32
      %sign3A_710 = arith.extui %sign3A_709 : i1 to i32
      %sign3A_711 = arith.subi %sign3A_707, %sign3A_710 : i32
      %ne3A_712 = arith.cmpi ne, %sign3A_704, %sign3A_711 : i32
      %rem3A_713 = arith.remsi %add3A_695, %jit3A_696 : i32
      %ne3A_714 = arith.constant 0 : i32
      %ne3A_715 = arith.cmpi ne, %rem3A_713, %ne3A_714 : i32
      %and3A_716 = arith.andi %ne3A_712, %ne3A_715 : i1
      %sub3A_717 = arith.constant 1 : i32
      %sub3A_718 = arith.subi %div3A_697, %sub3A_717 : i32
      %select_n3A_719 = arith.select %and3A_716, %sub3A_718, %div3A_697 : i32
      %jit3A_720 = arith.constant 16 : i32
      %eq3A_721 = arith.constant 0 : i32
      %eq3A_722 = arith.cmpi eq, %jit3A_720, %eq3A_721 : i32
      %jit3A_723 = arith.constant 1 : i32
      %select_n3A_724 = arith.select %eq3A_722, %jit3A_723, %jit3A_720 : i32
      %rem3A_725 = arith.remsi %add3A_695, %select_n3A_724 : i32
      %ne3A_726 = arith.constant 0 : i32
      %ne3A_727 = arith.cmpi ne, %rem3A_725, %ne3A_726 : i32
      %lt3A_728 = arith.constant 0 : i32
      %lt3A_729 = arith.cmpi slt, %rem3A_725, %lt3A_728 : i32
      %lt3A_730 = arith.constant 0 : i32
      %lt3A_731 = arith.cmpi slt, %select_n3A_724, %lt3A_730 : i32
      %ne3A_732 = arith.xori %lt3A_729, %lt3A_731 : i1
      %and3A_733 = arith.andi %ne3A_732, %ne3A_727 : i1
      %add3A_734 = arith.addi %rem3A_725, %select_n3A_724 : i32
      %select_n3A_735 = arith.select %and3A_733, %add3A_734, %rem3A_725 : i32
      %mul3A_736 = arith.constant 256 : i32
      %mul3A_737 = arith.muli %select_n3A_735, %mul3A_736 : i32
      %mul3A_738 = arith.constant 8 : i32
      %mul3A_739 = arith.muli %mul3A_737, %mul3A_738 : i32
      %dma_start3A_740 = arith.constant 3 : i32
      %dma_start3A_741 = arith.constant 0 : i32
      %dma_start3A_742 = arith.constant 0 : i32
      %dma_start3A_743 = tpu.memref_slice %arg7[%dma_start3A_740, %dma_start3A_742] : memref<4x8192xf32, #tpu.memory_space<vmem>> -> memref<1x2048xf32, #tpu.memory_space<vmem>>
      %dma_start3A_744 = tpu.memref_squeeze %dma_start3A_743 : memref<1x2048xf32, #tpu.memory_space<vmem>> -> memref<2048xf32, #tpu.memory_space<vmem>>
      %dma_start3A_745 = tpu.memref_slice %arg4[%select_n3A_719, %dma_start3A_741, %mul3A_739] : memref<200x4x32768xf32, #tpu.memory_space<hbm>> -> memref<1x1x2048xf32, #tpu.memory_space<hbm>>
      %dma_start3A_746 = tpu.memref_squeeze %dma_start3A_745 : memref<1x1x2048xf32, #tpu.memory_space<hbm>> -> memref<2048xf32, #tpu.memory_space<hbm>>
      %dma_start3A_747 = tpu.memref_slice %arg4[%select_n3A_719, %dma_start3A_741, %mul3A_739] : memref<200x4x32768xf32, #tpu.memory_space<hbm>> -> memref<1x1x2048xf32, #tpu.memory_space<hbm>>
      %dma_start3A_748 = tpu.memref_squeeze %dma_start3A_747 : memref<1x1x2048xf32, #tpu.memory_space<hbm>> -> memref<2048xf32, #tpu.memory_space<hbm>>
      %dma_start3A_749 = arith.constant 0 : i32
      %dma_start3A_750 = tpu.memref_slice %arg7[%dma_start3A_740, %dma_start3A_749] : memref<4x8192xf32, #tpu.memory_space<vmem>> -> memref<1x2048xf32, #tpu.memory_space<vmem>>
      %dma_start3A_751 = tpu.memref_squeeze %dma_start3A_750 : memref<1x2048xf32, #tpu.memory_space<vmem>> -> memref<2048xf32, #tpu.memory_space<vmem>>
      tpu.enqueue_dma source(%dma_start3A_751 : memref<2048xf32, #tpu.memory_space<vmem>>) target(%dma_start3A_748 : memref<2048xf32, #tpu.memory_space<hbm>>) target_semaphore(%arg16 : memref<!tpu.dma_semaphore, #tpu.memory_space<semaphore_mem>>)
      %mul3A_752 = arith.constant 8 : i32
      %mul3A_753 = arith.muli %mul3A_737, %mul3A_752 : i32
      %dma_start3A_754 = arith.constant 3 : i32
      %dma_start3A_755 = arith.constant 1 : i32
      %dma_start3A_756 = arith.constant 2048 : i32
      %dma_start3A_757 = tpu.memref_slice %arg7[%dma_start3A_754, %dma_start3A_756] : memref<4x8192xf32, #tpu.memory_space<vmem>> -> memref<1x2048xf32, #tpu.memory_space<vmem>>
      %dma_start3A_758 = tpu.memref_squeeze %dma_start3A_757 : memref<1x2048xf32, #tpu.memory_space<vmem>> -> memref<2048xf32, #tpu.memory_space<vmem>>
      %dma_start3A_759 = tpu.memref_slice %arg4[%select_n3A_719, %dma_start3A_755, %mul3A_753] : memref<200x4x32768xf32, #tpu.memory_space<hbm>> -> memref<1x1x2048xf32, #tpu.memory_space<hbm>>
      %dma_start3A_760 = tpu.memref_squeeze %dma_start3A_759 : memref<1x1x2048xf32, #tpu.memory_space<hbm>> -> memref<2048xf32, #tpu.memory_space<hbm>>
      %dma_start3A_761 = tpu.memref_slice %arg4[%select_n3A_719, %dma_start3A_755, %mul3A_753] : memref<200x4x32768xf32, #tpu.memory_space<hbm>> -> memref<1x1x2048xf32, #tpu.memory_space<hbm>>
      %dma_start3A_762 = tpu.memref_squeeze %dma_start3A_761 : memref<1x1x2048xf32, #tpu.memory_space<hbm>> -> memref<2048xf32, #tpu.memory_space<hbm>>
      %dma_start3A_763 = arith.constant 2048 : i32
      %dma_start3A_764 = tpu.memref_slice %arg7[%dma_start3A_754, %dma_start3A_763] : memref<4x8192xf32, #tpu.memory_space<vmem>> -> memref<1x2048xf32, #tpu.memory_space<vmem>>
      %dma_start3A_765 = tpu.memref_squeeze %dma_start3A_764 : memref<1x2048xf32, #tpu.memory_space<vmem>> -> memref<2048xf32, #tpu.memory_space<vmem>>
      tpu.enqueue_dma source(%dma_start3A_765 : memref<2048xf32, #tpu.memory_space<vmem>>) target(%dma_start3A_762 : memref<2048xf32, #tpu.memory_space<hbm>>) target_semaphore(%arg16 : memref<!tpu.dma_semaphore, #tpu.memory_space<semaphore_mem>>)
      %mul3A_766 = arith.constant 8 : i32
      %mul3A_767 = arith.muli %mul3A_737, %mul3A_766 : i32
      %dma_start3A_768 = arith.constant 3 : i32
      %dma_start3A_769 = arith.constant 2 : i32
      %dma_start3A_770 = arith.constant 4096 : i32
      %dma_start3A_771 = tpu.memref_slice %arg7[%dma_start3A_768, %dma_start3A_770] : memref<4x8192xf32, #tpu.memory_space<vmem>> -> memref<1x2048xf32, #tpu.memory_space<vmem>>
      %dma_start3A_772 = tpu.memref_squeeze %dma_start3A_771 : memref<1x2048xf32, #tpu.memory_space<vmem>> -> memref<2048xf32, #tpu.memory_space<vmem>>
      %dma_start3A_773 = tpu.memref_slice %arg4[%select_n3A_719, %dma_start3A_769, %mul3A_767] : memref<200x4x32768xf32, #tpu.memory_space<hbm>> -> memref<1x1x2048xf32, #tpu.memory_space<hbm>>
      %dma_start3A_774 = tpu.memref_squeeze %dma_start3A_773 : memref<1x1x2048xf32, #tpu.memory_space<hbm>> -> memref<2048xf32, #tpu.memory_space<hbm>>
      %dma_start3A_775 = tpu.memref_slice %arg4[%select_n3A_719, %dma_start3A_769, %mul3A_767] : memref<200x4x32768xf32, #tpu.memory_space<hbm>> -> memref<1x1x2048xf32, #tpu.memory_space<hbm>>
      %dma_start3A_776 = tpu.memref_squeeze %dma_start3A_775 : memref<1x1x2048xf32, #tpu.memory_space<hbm>> -> memref<2048xf32, #tpu.memory_space<hbm>>
      %dma_start3A_777 = arith.constant 4096 : i32
      %dma_start3A_778 = tpu.memref_slice %arg7[%dma_start3A_768, %dma_start3A_777] : memref<4x8192xf32, #tpu.memory_space<vmem>> -> memref<1x2048xf32, #tpu.memory_space<vmem>>
      %dma_start3A_779 = tpu.memref_squeeze %dma_start3A_778 : memref<1x2048xf32, #tpu.memory_space<vmem>> -> memref<2048xf32, #tpu.memory_space<vmem>>
      tpu.enqueue_dma source(%dma_start3A_779 : memref<2048xf32, #tpu.memory_space<vmem>>) target(%dma_start3A_776 : memref<2048xf32, #tpu.memory_space<hbm>>) target_semaphore(%arg16 : memref<!tpu.dma_semaphore, #tpu.memory_space<semaphore_mem>>)
      %mul3A_780 = arith.constant 8 : i32
      %mul3A_781 = arith.muli %mul3A_737, %mul3A_780 : i32
      %dma_start3A_782 = arith.constant 3 : i32
      %dma_start3A_783 = arith.constant 3 : i32
      %dma_start3A_784 = arith.constant 6144 : i32
      %dma_start3A_785 = tpu.memref_slice %arg7[%dma_start3A_782, %dma_start3A_784] : memref<4x8192xf32, #tpu.memory_space<vmem>> -> memref<1x2048xf32, #tpu.memory_space<vmem>>
      %dma_start3A_786 = tpu.memref_squeeze %dma_start3A_785 : memref<1x2048xf32, #tpu.memory_space<vmem>> -> memref<2048xf32, #tpu.memory_space<vmem>>
      %dma_start3A_787 = tpu.memref_slice %arg4[%select_n3A_719, %dma_start3A_783, %mul3A_781] : memref<200x4x32768xf32, #tpu.memory_space<hbm>> -> memref<1x1x2048xf32, #tpu.memory_space<hbm>>
      %dma_start3A_788 = tpu.memref_squeeze %dma_start3A_787 : memref<1x1x2048xf32, #tpu.memory_space<hbm>> -> memref<2048xf32, #tpu.memory_space<hbm>>
      %dma_start3A_789 = tpu.memref_slice %arg4[%select_n3A_719, %dma_start3A_783, %mul3A_781] : memref<200x4x32768xf32, #tpu.memory_space<hbm>> -> memref<1x1x2048xf32, #tpu.memory_space<hbm>>
      %dma_start3A_790 = tpu.memref_squeeze %dma_start3A_789 : memref<1x1x2048xf32, #tpu.memory_space<hbm>> -> memref<2048xf32, #tpu.memory_space<hbm>>
      %dma_start3A_791 = arith.constant 6144 : i32
      %dma_start3A_792 = tpu.memref_slice %arg7[%dma_start3A_782, %dma_start3A_791] : memref<4x8192xf32, #tpu.memory_space<vmem>> -> memref<1x2048xf32, #tpu.memory_space<vmem>>
      %dma_start3A_793 = tpu.memref_squeeze %dma_start3A_792 : memref<1x2048xf32, #tpu.memory_space<vmem>> -> memref<2048xf32, #tpu.memory_space<vmem>>
      tpu.enqueue_dma source(%dma_start3A_793 : memref<2048xf32, #tpu.memory_space<vmem>>) target(%dma_start3A_790 : memref<2048xf32, #tpu.memory_space<hbm>>) target_semaphore(%arg16 : memref<!tpu.dma_semaphore, #tpu.memory_space<semaphore_mem>>)
      %lt3A_794 = arith.constant 24 : i32
      %lt3A_795 = arith.cmpi slt, %scan3A_305, %lt3A_794 : i32
      %convert_element_type3A_796 = arith.extui %lt3A_795 : i1 to i32
      %cond3A_797 = arith.constant 0 : i32
      %cond3A_798 = arith.cmpi ne, %convert_element_type3A_796, %cond3A_797 : i32
      scf.if %cond3A_798 {
        %add3A_799 = arith.constant 4 : i32
        %add3A_800 = arith.addi %add3A_676, %add3A_799 : i32
        %mul3A_801 = arith.constant 256 : i32
        %mul3A_802 = arith.muli %add3A_800, %mul3A_801 : i32
        %dma_start3A_803 = arith.constant 3 : i32
        %dma_start3A_804 = arith.constant 0 : i32
        %dma_start3A_805 = arith.constant 0 : i32
        %dma_start3A_806 = tpu.memref_slice %arg6[%dma_start3A_803, %dma_start3A_804, %dma_start3A_805] : memref<4x256x32xf32, #tpu.memory_space<vmem>> -> memref<1x256x32xf32, #tpu.memory_space<vmem>>
        %dma_start3A_807 = tpu.memref_squeeze %dma_start3A_806 : memref<1x256x32xf32, #tpu.memory_space<vmem>> -> memref<256x32xf32, #tpu.memory_space<vmem>>
        %dma_start3A_808 = tpu.memref_slice %arg5[%mul3A_802] : memref<25600xi32, #tpu.memory_space<vmem>> -> memref<256xi32, #tpu.memory_space<vmem>>
        %dma_start3A_809 = arith.constant 0 : i32
        %dma_start3A_810 = arith.constant 0 : i32
        %dma_start3A_811 = tpu.memref_slice %arg3[%dma_start3A_809, %dma_start3A_810] : memref<1000000x32xf32, #tpu.memory_space<hbm>> -> memref<1000000x32xf32, #tpu.memory_space<hbm>>
        tpu.enqueue_indirect_dma source(%dma_start3A_811 : memref<1000000x32xf32, #tpu.memory_space<hbm>>) target(%dma_start3A_807 : memref<256x32xf32, #tpu.memory_space<vmem>>) offsets(%dma_start3A_808 : memref<256xi32, #tpu.memory_space<vmem>>) semaphore(%arg12 : memref<!tpu.dma_semaphore, #tpu.memory_space<semaphore_mem>>)
      } else {
      }
    }
    %scan3A_64 = arith.constant 25 : i32
    %dma_wait3A_65 = arith.constant 0 : i32
    %dma_wait3A_66 = arith.constant 0 : i32
    %dma_wait3A_67 = arith.constant 0 : i32
    %dma_wait3A_68 = arith.constant 0 : i32
    %dma_wait3A_69 = tpu.memref_slice %arg7[%dma_wait3A_65, %dma_wait3A_68] : memref<4x8192xf32, #tpu.memory_space<vmem>> -> memref<1x2048xf32, #tpu.memory_space<vmem>>
    %dma_wait3A_70 = tpu.memref_squeeze %dma_wait3A_69 : memref<1x2048xf32, #tpu.memory_space<vmem>> -> memref<2048xf32, #tpu.memory_space<vmem>>
    %dma_wait3A_71 = arith.constant 0 : i32
    %dma_wait3A_72 = tpu.memref_slice %arg4[%dma_wait3A_66, %dma_wait3A_67, %dma_wait3A_71] : memref<200x4x32768xf32, #tpu.memory_space<hbm>> -> memref<1x1x2048xf32, #tpu.memory_space<hbm>>
    %dma_wait3A_73 = tpu.memref_squeeze %dma_wait3A_72 : memref<1x1x2048xf32, #tpu.memory_space<hbm>> -> memref<2048xf32, #tpu.memory_space<hbm>>
    %dma_wait3A_74 = arith.constant 0 : i32
    %dma_wait3A_75 = tpu.memref_slice %arg4[%dma_wait3A_66, %dma_wait3A_67, %dma_wait3A_74] : memref<200x4x32768xf32, #tpu.memory_space<hbm>> -> memref<1x1x2048xf32, #tpu.memory_space<hbm>>
    %dma_wait3A_76 = tpu.memref_squeeze %dma_wait3A_75 : memref<1x1x2048xf32, #tpu.memory_space<hbm>> -> memref<2048xf32, #tpu.memory_space<hbm>>
    %dma_wait3A_77 = arith.constant 0 : i32
    %dma_wait3A_78 = tpu.memref_slice %arg7[%dma_wait3A_65, %dma_wait3A_77] : memref<4x8192xf32, #tpu.memory_space<vmem>> -> memref<1x2048xf32, #tpu.memory_space<vmem>>
    %dma_wait3A_79 = tpu.memref_squeeze %dma_wait3A_78 : memref<1x2048xf32, #tpu.memory_space<vmem>> -> memref<2048xf32, #tpu.memory_space<vmem>>
    tpu.wait_dma2 semaphore(%arg13 : memref<!tpu.dma_semaphore, #tpu.memory_space<semaphore_mem>>) src(%dma_wait3A_79 : memref<2048xf32, #tpu.memory_space<vmem>>) dst(%dma_wait3A_76 : memref<2048xf32, #tpu.memory_space<hbm>>)
    %dma_wait3A_80 = arith.constant 0 : i32
    %dma_wait3A_81 = arith.constant 0 : i32
    %dma_wait3A_82 = arith.constant 0 : i32
    %dma_wait3A_83 = arith.constant 2048 : i32
    %dma_wait3A_84 = tpu.memref_slice %arg7[%dma_wait3A_80, %dma_wait3A_83] : memref<4x8192xf32, #tpu.memory_space<vmem>> -> memref<1x2048xf32, #tpu.memory_space<vmem>>
    %dma_wait3A_85 = tpu.memref_squeeze %dma_wait3A_84 : memref<1x2048xf32, #tpu.memory_space<vmem>> -> memref<2048xf32, #tpu.memory_space<vmem>>
    %dma_wait3A_86 = arith.constant 0 : i32
    %dma_wait3A_87 = tpu.memref_slice %arg4[%dma_wait3A_81, %dma_wait3A_82, %dma_wait3A_86] : memref<200x4x32768xf32, #tpu.memory_space<hbm>> -> memref<1x1x2048xf32, #tpu.memory_space<hbm>>
    %dma_wait3A_88 = tpu.memref_squeeze %dma_wait3A_87 : memref<1x1x2048xf32, #tpu.memory_space<hbm>> -> memref<2048xf32, #tpu.memory_space<hbm>>
    %dma_wait3A_89 = arith.constant 0 : i32
    %dma_wait3A_90 = tpu.memref_slice %arg4[%dma_wait3A_81, %dma_wait3A_82, %dma_wait3A_89] : memref<200x4x32768xf32, #tpu.memory_space<hbm>> -> memref<1x1x2048xf32, #tpu.memory_space<hbm>>
    %dma_wait3A_91 = tpu.memref_squeeze %dma_wait3A_90 : memref<1x1x2048xf32, #tpu.memory_space<hbm>> -> memref<2048xf32, #tpu.memory_space<hbm>>
    %dma_wait3A_92 = arith.constant 2048 : i32
    %dma_wait3A_93 = tpu.memref_slice %arg7[%dma_wait3A_80, %dma_wait3A_92] : memref<4x8192xf32, #tpu.memory_space<vmem>> -> memref<1x2048xf32, #tpu.memory_space<vmem>>
    %dma_wait3A_94 = tpu.memref_squeeze %dma_wait3A_93 : memref<1x2048xf32, #tpu.memory_space<vmem>> -> memref<2048xf32, #tpu.memory_space<vmem>>
    tpu.wait_dma2 semaphore(%arg13 : memref<!tpu.dma_semaphore, #tpu.memory_space<semaphore_mem>>) src(%dma_wait3A_94 : memref<2048xf32, #tpu.memory_space<vmem>>) dst(%dma_wait3A_91 : memref<2048xf32, #tpu.memory_space<hbm>>)
    %dma_wait3A_95 = arith.constant 0 : i32
    %dma_wait3A_96 = arith.constant 0 : i32
    %dma_wait3A_97 = arith.constant 0 : i32
    %dma_wait3A_98 = arith.constant 4096 : i32
    %dma_wait3A_99 = tpu.memref_slice %arg7[%dma_wait3A_95, %dma_wait3A_98] : memref<4x8192xf32, #tpu.memory_space<vmem>> -> memref<1x2048xf32, #tpu.memory_space<vmem>>
    %dma_wait3A_100 = tpu.memref_squeeze %dma_wait3A_99 : memref<1x2048xf32, #tpu.memory_space<vmem>> -> memref<2048xf32, #tpu.memory_space<vmem>>
    %dma_wait3A_101 = arith.constant 0 : i32
    %dma_wait3A_102 = tpu.memref_slice %arg4[%dma_wait3A_96, %dma_wait3A_97, %dma_wait3A_101] : memref<200x4x32768xf32, #tpu.memory_space<hbm>> -> memref<1x1x2048xf32, #tpu.memory_space<hbm>>
    %dma_wait3A_103 = tpu.memref_squeeze %dma_wait3A_102 : memref<1x1x2048xf32, #tpu.memory_space<hbm>> -> memref<2048xf32, #tpu.memory_space<hbm>>
    %dma_wait3A_104 = arith.constant 0 : i32
    %dma_wait3A_105 = tpu.memref_slice %arg4[%dma_wait3A_96, %dma_wait3A_97, %dma_wait3A_104] : memref<200x4x32768xf32, #tpu.memory_space<hbm>> -> memref<1x1x2048xf32, #tpu.memory_space<hbm>>
    %dma_wait3A_106 = tpu.memref_squeeze %dma_wait3A_105 : memref<1x1x2048xf32, #tpu.memory_space<hbm>> -> memref<2048xf32, #tpu.memory_space<hbm>>
    %dma_wait3A_107 = arith.constant 4096 : i32
    %dma_wait3A_108 = tpu.memref_slice %arg7[%dma_wait3A_95, %dma_wait3A_107] : memref<4x8192xf32, #tpu.memory_space<vmem>> -> memref<1x2048xf32, #tpu.memory_space<vmem>>
    %dma_wait3A_109 = tpu.memref_squeeze %dma_wait3A_108 : memref<1x2048xf32, #tpu.memory_space<vmem>> -> memref<2048xf32, #tpu.memory_space<vmem>>
    tpu.wait_dma2 semaphore(%arg13 : memref<!tpu.dma_semaphore, #tpu.memory_space<semaphore_mem>>) src(%dma_wait3A_109 : memref<2048xf32, #tpu.memory_space<vmem>>) dst(%dma_wait3A_106 : memref<2048xf32, #tpu.memory_space<hbm>>)
    %dma_wait3A_110 = arith.constant 0 : i32
    %dma_wait3A_111 = arith.constant 0 : i32
    %dma_wait3A_112 = arith.constant 0 : i32
    %dma_wait3A_113 = arith.constant 6144 : i32
    %dma_wait3A_114 = tpu.memref_slice %arg7[%dma_wait3A_110, %dma_wait3A_113] : memref<4x8192xf32, #tpu.memory_space<vmem>> -> memref<1x2048xf32, #tpu.memory_space<vmem>>
    %dma_wait3A_115 = tpu.memref_squeeze %dma_wait3A_114 : memref<1x2048xf32, #tpu.memory_space<vmem>> -> memref<2048xf32, #tpu.memory_space<vmem>>
    %dma_wait3A_116 = arith.constant 0 : i32
    %dma_wait3A_117 = tpu.memref_slice %arg4[%dma_wait3A_111, %dma_wait3A_112, %dma_wait3A_116] : memref<200x4x32768xf32, #tpu.memory_space<hbm>> -> memref<1x1x2048xf32, #tpu.memory_space<hbm>>
    %dma_wait3A_118 = tpu.memref_squeeze %dma_wait3A_117 : memref<1x1x2048xf32, #tpu.memory_space<hbm>> -> memref<2048xf32, #tpu.memory_space<hbm>>
    %dma_wait3A_119 = arith.constant 0 : i32
    %dma_wait3A_120 = tpu.memref_slice %arg4[%dma_wait3A_111, %dma_wait3A_112, %dma_wait3A_119] : memref<200x4x32768xf32, #tpu.memory_space<hbm>> -> memref<1x1x2048xf32, #tpu.memory_space<hbm>>
    %dma_wait3A_121 = tpu.memref_squeeze %dma_wait3A_120 : memref<1x1x2048xf32, #tpu.memory_space<hbm>> -> memref<2048xf32, #tpu.memory_space<hbm>>
    %dma_wait3A_122 = arith.constant 6144 : i32
    %dma_wait3A_123 = tpu.memref_slice %arg7[%dma_wait3A_110, %dma_wait3A_122] : memref<4x8192xf32, #tpu.memory_space<vmem>> -> memref<1x2048xf32, #tpu.memory_space<vmem>>
    %dma_wait3A_124 = tpu.memref_squeeze %dma_wait3A_123 : memref<1x2048xf32, #tpu.memory_space<vmem>> -> memref<2048xf32, #tpu.memory_space<vmem>>
    tpu.wait_dma2 semaphore(%arg13 : memref<!tpu.dma_semaphore, #tpu.memory_space<semaphore_mem>>) src(%dma_wait3A_124 : memref<2048xf32, #tpu.memory_space<vmem>>) dst(%dma_wait3A_121 : memref<2048xf32, #tpu.memory_space<hbm>>)
    %dma_wait3A_125 = arith.constant 1 : i32
    %dma_wait3A_126 = arith.constant 0 : i32
    %dma_wait3A_127 = arith.constant 0 : i32
    %dma_wait3A_128 = arith.constant 0 : i32
    %dma_wait3A_129 = tpu.memref_slice %arg7[%dma_wait3A_125, %dma_wait3A_128] : memref<4x8192xf32, #tpu.memory_space<vmem>> -> memref<1x2048xf32, #tpu.memory_space<vmem>>
    %dma_wait3A_130 = tpu.memref_squeeze %dma_wait3A_129 : memref<1x2048xf32, #tpu.memory_space<vmem>> -> memref<2048xf32, #tpu.memory_space<vmem>>
    %dma_wait3A_131 = arith.constant 0 : i32
    %dma_wait3A_132 = tpu.memref_slice %arg4[%dma_wait3A_126, %dma_wait3A_127, %dma_wait3A_131] : memref<200x4x32768xf32, #tpu.memory_space<hbm>> -> memref<1x1x2048xf32, #tpu.memory_space<hbm>>
    %dma_wait3A_133 = tpu.memref_squeeze %dma_wait3A_132 : memref<1x1x2048xf32, #tpu.memory_space<hbm>> -> memref<2048xf32, #tpu.memory_space<hbm>>
    %dma_wait3A_134 = arith.constant 0 : i32
    %dma_wait3A_135 = tpu.memref_slice %arg4[%dma_wait3A_126, %dma_wait3A_127, %dma_wait3A_134] : memref<200x4x32768xf32, #tpu.memory_space<hbm>> -> memref<1x1x2048xf32, #tpu.memory_space<hbm>>
    %dma_wait3A_136 = tpu.memref_squeeze %dma_wait3A_135 : memref<1x1x2048xf32, #tpu.memory_space<hbm>> -> memref<2048xf32, #tpu.memory_space<hbm>>
    %dma_wait3A_137 = arith.constant 0 : i32
    %dma_wait3A_138 = tpu.memref_slice %arg7[%dma_wait3A_125, %dma_wait3A_137] : memref<4x8192xf32, #tpu.memory_space<vmem>> -> memref<1x2048xf32, #tpu.memory_space<vmem>>
    %dma_wait3A_139 = tpu.memref_squeeze %dma_wait3A_138 : memref<1x2048xf32, #tpu.memory_space<vmem>> -> memref<2048xf32, #tpu.memory_space<vmem>>
    tpu.wait_dma2 semaphore(%arg14 : memref<!tpu.dma_semaphore, #tpu.memory_space<semaphore_mem>>) src(%dma_wait3A_139 : memref<2048xf32, #tpu.memory_space<vmem>>) dst(%dma_wait3A_136 : memref<2048xf32, #tpu.memory_space<hbm>>)
    %dma_wait3A_140 = arith.constant 1 : i32
    %dma_wait3A_141 = arith.constant 0 : i32
    %dma_wait3A_142 = arith.constant 0 : i32
    %dma_wait3A_143 = arith.constant 2048 : i32
    %dma_wait3A_144 = tpu.memref_slice %arg7[%dma_wait3A_140, %dma_wait3A_143] : memref<4x8192xf32, #tpu.memory_space<vmem>> -> memref<1x2048xf32, #tpu.memory_space<vmem>>
    %dma_wait3A_145 = tpu.memref_squeeze %dma_wait3A_144 : memref<1x2048xf32, #tpu.memory_space<vmem>> -> memref<2048xf32, #tpu.memory_space<vmem>>
    %dma_wait3A_146 = arith.constant 0 : i32
    %dma_wait3A_147 = tpu.memref_slice %arg4[%dma_wait3A_141, %dma_wait3A_142, %dma_wait3A_146] : memref<200x4x32768xf32, #tpu.memory_space<hbm>> -> memref<1x1x2048xf32, #tpu.memory_space<hbm>>
    %dma_wait3A_148 = tpu.memref_squeeze %dma_wait3A_147 : memref<1x1x2048xf32, #tpu.memory_space<hbm>> -> memref<2048xf32, #tpu.memory_space<hbm>>
    %dma_wait3A_149 = arith.constant 0 : i32
    %dma_wait3A_150 = tpu.memref_slice %arg4[%dma_wait3A_141, %dma_wait3A_142, %dma_wait3A_149] : memref<200x4x32768xf32, #tpu.memory_space<hbm>> -> memref<1x1x2048xf32, #tpu.memory_space<hbm>>
    %dma_wait3A_151 = tpu.memref_squeeze %dma_wait3A_150 : memref<1x1x2048xf32, #tpu.memory_space<hbm>> -> memref<2048xf32, #tpu.memory_space<hbm>>
    %dma_wait3A_152 = arith.constant 2048 : i32
    %dma_wait3A_153 = tpu.memref_slice %arg7[%dma_wait3A_140, %dma_wait3A_152] : memref<4x8192xf32, #tpu.memory_space<vmem>> -> memref<1x2048xf32, #tpu.memory_space<vmem>>
    %dma_wait3A_154 = tpu.memref_squeeze %dma_wait3A_153 : memref<1x2048xf32, #tpu.memory_space<vmem>> -> memref<2048xf32, #tpu.memory_space<vmem>>
    tpu.wait_dma2 semaphore(%arg14 : memref<!tpu.dma_semaphore, #tpu.memory_space<semaphore_mem>>) src(%dma_wait3A_154 : memref<2048xf32, #tpu.memory_space<vmem>>) dst(%dma_wait3A_151 : memref<2048xf32, #tpu.memory_space<hbm>>)
    %dma_wait3A_155 = arith.constant 1 : i32
    %dma_wait3A_156 = arith.constant 0 : i32
    %dma_wait3A_157 = arith.constant 0 : i32
    %dma_wait3A_158 = arith.constant 4096 : i32
    %dma_wait3A_159 = tpu.memref_slice %arg7[%dma_wait3A_155, %dma_wait3A_158] : memref<4x8192xf32, #tpu.memory_space<vmem>> -> memref<1x2048xf32, #tpu.memory_space<vmem>>
    %dma_wait3A_160 = tpu.memref_squeeze %dma_wait3A_159 : memref<1x2048xf32, #tpu.memory_space<vmem>> -> memref<2048xf32, #tpu.memory_space<vmem>>
    %dma_wait3A_161 = arith.constant 0 : i32
    %dma_wait3A_162 = tpu.memref_slice %arg4[%dma_wait3A_156, %dma_wait3A_157, %dma_wait3A_161] : memref<200x4x32768xf32, #tpu.memory_space<hbm>> -> memref<1x1x2048xf32, #tpu.memory_space<hbm>>
    %dma_wait3A_163 = tpu.memref_squeeze %dma_wait3A_162 : memref<1x1x2048xf32, #tpu.memory_space<hbm>> -> memref<2048xf32, #tpu.memory_space<hbm>>
    %dma_wait3A_164 = arith.constant 0 : i32
    %dma_wait3A_165 = tpu.memref_slice %arg4[%dma_wait3A_156, %dma_wait3A_157, %dma_wait3A_164] : memref<200x4x32768xf32, #tpu.memory_space<hbm>> -> memref<1x1x2048xf32, #tpu.memory_space<hbm>>
    %dma_wait3A_166 = tpu.memref_squeeze %dma_wait3A_165 : memref<1x1x2048xf32, #tpu.memory_space<hbm>> -> memref<2048xf32, #tpu.memory_space<hbm>>
    %dma_wait3A_167 = arith.constant 4096 : i32
    %dma_wait3A_168 = tpu.memref_slice %arg7[%dma_wait3A_155, %dma_wait3A_167] : memref<4x8192xf32, #tpu.memory_space<vmem>> -> memref<1x2048xf32, #tpu.memory_space<vmem>>
    %dma_wait3A_169 = tpu.memref_squeeze %dma_wait3A_168 : memref<1x2048xf32, #tpu.memory_space<vmem>> -> memref<2048xf32, #tpu.memory_space<vmem>>
    tpu.wait_dma2 semaphore(%arg14 : memref<!tpu.dma_semaphore, #tpu.memory_space<semaphore_mem>>) src(%dma_wait3A_169 : memref<2048xf32, #tpu.memory_space<vmem>>) dst(%dma_wait3A_166 : memref<2048xf32, #tpu.memory_space<hbm>>)
    %dma_wait3A_170 = arith.constant 1 : i32
    %dma_wait3A_171 = arith.constant 0 : i32
    %dma_wait3A_172 = arith.constant 0 : i32
    %dma_wait3A_173 = arith.constant 6144 : i32
    %dma_wait3A_174 = tpu.memref_slice %arg7[%dma_wait3A_170, %dma_wait3A_173] : memref<4x8192xf32, #tpu.memory_space<vmem>> -> memref<1x2048xf32, #tpu.memory_space<vmem>>
    %dma_wait3A_175 = tpu.memref_squeeze %dma_wait3A_174 : memref<1x2048xf32, #tpu.memory_space<vmem>> -> memref<2048xf32, #tpu.memory_space<vmem>>
    %dma_wait3A_176 = arith.constant 0 : i32
    %dma_wait3A_177 = tpu.memref_slice %arg4[%dma_wait3A_171, %dma_wait3A_172, %dma_wait3A_176] : memref<200x4x32768xf32, #tpu.memory_space<hbm>> -> memref<1x1x2048xf32, #tpu.memory_space<hbm>>
    %dma_wait3A_178 = tpu.memref_squeeze %dma_wait3A_177 : memref<1x1x2048xf32, #tpu.memory_space<hbm>> -> memref<2048xf32, #tpu.memory_space<hbm>>
    %dma_wait3A_179 = arith.constant 0 : i32
    %dma_wait3A_180 = tpu.memref_slice %arg4[%dma_wait3A_171, %dma_wait3A_172, %dma_wait3A_179] : memref<200x4x32768xf32, #tpu.memory_space<hbm>> -> memref<1x1x2048xf32, #tpu.memory_space<hbm>>
    %dma_wait3A_181 = tpu.memref_squeeze %dma_wait3A_180 : memref<1x1x2048xf32, #tpu.memory_space<hbm>> -> memref<2048xf32, #tpu.memory_space<hbm>>
    %dma_wait3A_182 = arith.constant 6144 : i32
    %dma_wait3A_183 = tpu.memref_slice %arg7[%dma_wait3A_170, %dma_wait3A_182] : memref<4x8192xf32, #tpu.memory_space<vmem>> -> memref<1x2048xf32, #tpu.memory_space<vmem>>
    %dma_wait3A_184 = tpu.memref_squeeze %dma_wait3A_183 : memref<1x2048xf32, #tpu.memory_space<vmem>> -> memref<2048xf32, #tpu.memory_space<vmem>>
    tpu.wait_dma2 semaphore(%arg14 : memref<!tpu.dma_semaphore, #tpu.memory_space<semaphore_mem>>) src(%dma_wait3A_184 : memref<2048xf32, #tpu.memory_space<vmem>>) dst(%dma_wait3A_181 : memref<2048xf32, #tpu.memory_space<hbm>>)
    %dma_wait3A_185 = arith.constant 2 : i32
    %dma_wait3A_186 = arith.constant 0 : i32
    %dma_wait3A_187 = arith.constant 0 : i32
    %dma_wait3A_188 = arith.constant 0 : i32
    %dma_wait3A_189 = tpu.memref_slice %arg7[%dma_wait3A_185, %dma_wait3A_188] : memref<4x8192xf32, #tpu.memory_space<vmem>> -> memref<1x2048xf32, #tpu.memory_space<vmem>>
    %dma_wait3A_190 = tpu.memref_squeeze %dma_wait3A_189 : memref<1x2048xf32, #tpu.memory_space<vmem>> -> memref<2048xf32, #tpu.memory_space<vmem>>
    %dma_wait3A_191 = arith.constant 0 : i32
    %dma_wait3A_192 = tpu.memref_slice %arg4[%dma_wait3A_186, %dma_wait3A_187, %dma_wait3A_191] : memref<200x4x32768xf32, #tpu.memory_space<hbm>> -> memref<1x1x2048xf32, #tpu.memory_space<hbm>>
    %dma_wait3A_193 = tpu.memref_squeeze %dma_wait3A_192 : memref<1x1x2048xf32, #tpu.memory_space<hbm>> -> memref<2048xf32, #tpu.memory_space<hbm>>
    %dma_wait3A_194 = arith.constant 0 : i32
    %dma_wait3A_195 = tpu.memref_slice %arg4[%dma_wait3A_186, %dma_wait3A_187, %dma_wait3A_194] : memref<200x4x32768xf32, #tpu.memory_space<hbm>> -> memref<1x1x2048xf32, #tpu.memory_space<hbm>>
    %dma_wait3A_196 = tpu.memref_squeeze %dma_wait3A_195 : memref<1x1x2048xf32, #tpu.memory_space<hbm>> -> memref<2048xf32, #tpu.memory_space<hbm>>
    %dma_wait3A_197 = arith.constant 0 : i32
    %dma_wait3A_198 = tpu.memref_slice %arg7[%dma_wait3A_185, %dma_wait3A_197] : memref<4x8192xf32, #tpu.memory_space<vmem>> -> memref<1x2048xf32, #tpu.memory_space<vmem>>
    %dma_wait3A_199 = tpu.memref_squeeze %dma_wait3A_198 : memref<1x2048xf32, #tpu.memory_space<vmem>> -> memref<2048xf32, #tpu.memory_space<vmem>>
    tpu.wait_dma2 semaphore(%arg15 : memref<!tpu.dma_semaphore, #tpu.memory_space<semaphore_mem>>) src(%dma_wait3A_199 : memref<2048xf32, #tpu.memory_space<vmem>>) dst(%dma_wait3A_196 : memref<2048xf32, #tpu.memory_space<hbm>>)
    %dma_wait3A_200 = arith.constant 2 : i32
    %dma_wait3A_201 = arith.constant 0 : i32
    %dma_wait3A_202 = arith.constant 0 : i32
    %dma_wait3A_203 = arith.constant 2048 : i32
    %dma_wait3A_204 = tpu.memref_slice %arg7[%dma_wait3A_200, %dma_wait3A_203] : memref<4x8192xf32, #tpu.memory_space<vmem>> -> memref<1x2048xf32, #tpu.memory_space<vmem>>
    %dma_wait3A_205 = tpu.memref_squeeze %dma_wait3A_204 : memref<1x2048xf32, #tpu.memory_space<vmem>> -> memref<2048xf32, #tpu.memory_space<vmem>>
    %dma_wait3A_206 = arith.constant 0 : i32
    %dma_wait3A_207 = tpu.memref_slice %arg4[%dma_wait3A_201, %dma_wait3A_202, %dma_wait3A_206] : memref<200x4x32768xf32, #tpu.memory_space<hbm>> -> memref<1x1x2048xf32, #tpu.memory_space<hbm>>
    %dma_wait3A_208 = tpu.memref_squeeze %dma_wait3A_207 : memref<1x1x2048xf32, #tpu.memory_space<hbm>> -> memref<2048xf32, #tpu.memory_space<hbm>>
    %dma_wait3A_209 = arith.constant 0 : i32
    %dma_wait3A_210 = tpu.memref_slice %arg4[%dma_wait3A_201, %dma_wait3A_202, %dma_wait3A_209] : memref<200x4x32768xf32, #tpu.memory_space<hbm>> -> memref<1x1x2048xf32, #tpu.memory_space<hbm>>
    %dma_wait3A_211 = tpu.memref_squeeze %dma_wait3A_210 : memref<1x1x2048xf32, #tpu.memory_space<hbm>> -> memref<2048xf32, #tpu.memory_space<hbm>>
    %dma_wait3A_212 = arith.constant 2048 : i32
    %dma_wait3A_213 = tpu.memref_slice %arg7[%dma_wait3A_200, %dma_wait3A_212] : memref<4x8192xf32, #tpu.memory_space<vmem>> -> memref<1x2048xf32, #tpu.memory_space<vmem>>
    %dma_wait3A_214 = tpu.memref_squeeze %dma_wait3A_213 : memref<1x2048xf32, #tpu.memory_space<vmem>> -> memref<2048xf32, #tpu.memory_space<vmem>>
    tpu.wait_dma2 semaphore(%arg15 : memref<!tpu.dma_semaphore, #tpu.memory_space<semaphore_mem>>) src(%dma_wait3A_214 : memref<2048xf32, #tpu.memory_space<vmem>>) dst(%dma_wait3A_211 : memref<2048xf32, #tpu.memory_space<hbm>>)
    %dma_wait3A_215 = arith.constant 2 : i32
    %dma_wait3A_216 = arith.constant 0 : i32
    %dma_wait3A_217 = arith.constant 0 : i32
    %dma_wait3A_218 = arith.constant 4096 : i32
    %dma_wait3A_219 = tpu.memref_slice %arg7[%dma_wait3A_215, %dma_wait3A_218] : memref<4x8192xf32, #tpu.memory_space<vmem>> -> memref<1x2048xf32, #tpu.memory_space<vmem>>
    %dma_wait3A_220 = tpu.memref_squeeze %dma_wait3A_219 : memref<1x2048xf32, #tpu.memory_space<vmem>> -> memref<2048xf32, #tpu.memory_space<vmem>>
    %dma_wait3A_221 = arith.constant 0 : i32
    %dma_wait3A_222 = tpu.memref_slice %arg4[%dma_wait3A_216, %dma_wait3A_217, %dma_wait3A_221] : memref<200x4x32768xf32, #tpu.memory_space<hbm>> -> memref<1x1x2048xf32, #tpu.memory_space<hbm>>
    %dma_wait3A_223 = tpu.memref_squeeze %dma_wait3A_222 : memref<1x1x2048xf32, #tpu.memory_space<hbm>> -> memref<2048xf32, #tpu.memory_space<hbm>>
    %dma_wait3A_224 = arith.constant 0 : i32
    %dma_wait3A_225 = tpu.memref_slice %arg4[%dma_wait3A_216, %dma_wait3A_217, %dma_wait3A_224] : memref<200x4x32768xf32, #tpu.memory_space<hbm>> -> memref<1x1x2048xf32, #tpu.memory_space<hbm>>
    %dma_wait3A_226 = tpu.memref_squeeze %dma_wait3A_225 : memref<1x1x2048xf32, #tpu.memory_space<hbm>> -> memref<2048xf32, #tpu.memory_space<hbm>>
    %dma_wait3A_227 = arith.constant 4096 : i32
    %dma_wait3A_228 = tpu.memref_slice %arg7[%dma_wait3A_215, %dma_wait3A_227] : memref<4x8192xf32, #tpu.memory_space<vmem>> -> memref<1x2048xf32, #tpu.memory_space<vmem>>
    %dma_wait3A_229 = tpu.memref_squeeze %dma_wait3A_228 : memref<1x2048xf32, #tpu.memory_space<vmem>> -> memref<2048xf32, #tpu.memory_space<vmem>>
    tpu.wait_dma2 semaphore(%arg15 : memref<!tpu.dma_semaphore, #tpu.memory_space<semaphore_mem>>) src(%dma_wait3A_229 : memref<2048xf32, #tpu.memory_space<vmem>>) dst(%dma_wait3A_226 : memref<2048xf32, #tpu.memory_space<hbm>>)
    %dma_wait3A_230 = arith.constant 2 : i32
    %dma_wait3A_231 = arith.constant 0 : i32
    %dma_wait3A_232 = arith.constant 0 : i32
    %dma_wait3A_233 = arith.constant 6144 : i32
    %dma_wait3A_234 = tpu.memref_slice %arg7[%dma_wait3A_230, %dma_wait3A_233] : memref<4x8192xf32, #tpu.memory_space<vmem>> -> memref<1x2048xf32, #tpu.memory_space<vmem>>
    %dma_wait3A_235 = tpu.memref_squeeze %dma_wait3A_234 : memref<1x2048xf32, #tpu.memory_space<vmem>> -> memref<2048xf32, #tpu.memory_space<vmem>>
    %dma_wait3A_236 = arith.constant 0 : i32
    %dma_wait3A_237 = tpu.memref_slice %arg4[%dma_wait3A_231, %dma_wait3A_232, %dma_wait3A_236] : memref<200x4x32768xf32, #tpu.memory_space<hbm>> -> memref<1x1x2048xf32, #tpu.memory_space<hbm>>
    %dma_wait3A_238 = tpu.memref_squeeze %dma_wait3A_237 : memref<1x1x2048xf32, #tpu.memory_space<hbm>> -> memref<2048xf32, #tpu.memory_space<hbm>>
    %dma_wait3A_239 = arith.constant 0 : i32
    %dma_wait3A_240 = tpu.memref_slice %arg4[%dma_wait3A_231, %dma_wait3A_232, %dma_wait3A_239] : memref<200x4x32768xf32, #tpu.memory_space<hbm>> -> memref<1x1x2048xf32, #tpu.memory_space<hbm>>
    %dma_wait3A_241 = tpu.memref_squeeze %dma_wait3A_240 : memref<1x1x2048xf32, #tpu.memory_space<hbm>> -> memref<2048xf32, #tpu.memory_space<hbm>>
    %dma_wait3A_242 = arith.constant 6144 : i32
    %dma_wait3A_243 = tpu.memref_slice %arg7[%dma_wait3A_230, %dma_wait3A_242] : memref<4x8192xf32, #tpu.memory_space<vmem>> -> memref<1x2048xf32, #tpu.memory_space<vmem>>
    %dma_wait3A_244 = tpu.memref_squeeze %dma_wait3A_243 : memref<1x2048xf32, #tpu.memory_space<vmem>> -> memref<2048xf32, #tpu.memory_space<vmem>>
    tpu.wait_dma2 semaphore(%arg15 : memref<!tpu.dma_semaphore, #tpu.memory_space<semaphore_mem>>) src(%dma_wait3A_244 : memref<2048xf32, #tpu.memory_space<vmem>>) dst(%dma_wait3A_241 : memref<2048xf32, #tpu.memory_space<hbm>>)
    %dma_wait3A_245 = arith.constant 3 : i32
    %dma_wait3A_246 = arith.constant 0 : i32
    %dma_wait3A_247 = arith.constant 0 : i32
    %dma_wait3A_248 = arith.constant 0 : i32
    %dma_wait3A_249 = tpu.memref_slice %arg7[%dma_wait3A_245, %dma_wait3A_248] : memref<4x8192xf32, #tpu.memory_space<vmem>> -> memref<1x2048xf32, #tpu.memory_space<vmem>>
    %dma_wait3A_250 = tpu.memref_squeeze %dma_wait3A_249 : memref<1x2048xf32, #tpu.memory_space<vmem>> -> memref<2048xf32, #tpu.memory_space<vmem>>
    %dma_wait3A_251 = arith.constant 0 : i32
    %dma_wait3A_252 = tpu.memref_slice %arg4[%dma_wait3A_246, %dma_wait3A_247, %dma_wait3A_251] : memref<200x4x32768xf32, #tpu.memory_space<hbm>> -> memref<1x1x2048xf32, #tpu.memory_space<hbm>>
    %dma_wait3A_253 = tpu.memref_squeeze %dma_wait3A_252 : memref<1x1x2048xf32, #tpu.memory_space<hbm>> -> memref<2048xf32, #tpu.memory_space<hbm>>
    %dma_wait3A_254 = arith.constant 0 : i32
    %dma_wait3A_255 = tpu.memref_slice %arg4[%dma_wait3A_246, %dma_wait3A_247, %dma_wait3A_254] : memref<200x4x32768xf32, #tpu.memory_space<hbm>> -> memref<1x1x2048xf32, #tpu.memory_space<hbm>>
    %dma_wait3A_256 = tpu.memref_squeeze %dma_wait3A_255 : memref<1x1x2048xf32, #tpu.memory_space<hbm>> -> memref<2048xf32, #tpu.memory_space<hbm>>
    %dma_wait3A_257 = arith.constant 0 : i32
    %dma_wait3A_258 = tpu.memref_slice %arg7[%dma_wait3A_245, %dma_wait3A_257] : memref<4x8192xf32, #tpu.memory_space<vmem>> -> memref<1x2048xf32, #tpu.memory_space<vmem>>
    %dma_wait3A_259 = tpu.memref_squeeze %dma_wait3A_258 : memref<1x2048xf32, #tpu.memory_space<vmem>> -> memref<2048xf32, #tpu.memory_space<vmem>>
    tpu.wait_dma2 semaphore(%arg16 : memref<!tpu.dma_semaphore, #tpu.memory_space<semaphore_mem>>) src(%dma_wait3A_259 : memref<2048xf32, #tpu.memory_space<vmem>>) dst(%dma_wait3A_256 : memref<2048xf32, #tpu.memory_space<hbm>>)
    %dma_wait3A_260 = arith.constant 3 : i32
    %dma_wait3A_261 = arith.constant 0 : i32
    %dma_wait3A_262 = arith.constant 0 : i32
    %dma_wait3A_263 = arith.constant 2048 : i32
    %dma_wait3A_264 = tpu.memref_slice %arg7[%dma_wait3A_260, %dma_wait3A_263] : memref<4x8192xf32, #tpu.memory_space<vmem>> -> memref<1x2048xf32, #tpu.memory_space<vmem>>
    %dma_wait3A_265 = tpu.memref_squeeze %dma_wait3A_264 : memref<1x2048xf32, #tpu.memory_space<vmem>> -> memref<2048xf32, #tpu.memory_space<vmem>>
    %dma_wait3A_266 = arith.constant 0 : i32
    %dma_wait3A_267 = tpu.memref_slice %arg4[%dma_wait3A_261, %dma_wait3A_262, %dma_wait3A_266] : memref<200x4x32768xf32, #tpu.memory_space<hbm>> -> memref<1x1x2048xf32, #tpu.memory_space<hbm>>
    %dma_wait3A_268 = tpu.memref_squeeze %dma_wait3A_267 : memref<1x1x2048xf32, #tpu.memory_space<hbm>> -> memref<2048xf32, #tpu.memory_space<hbm>>
    %dma_wait3A_269 = arith.constant 0 : i32
    %dma_wait3A_270 = tpu.memref_slice %arg4[%dma_wait3A_261, %dma_wait3A_262, %dma_wait3A_269] : memref<200x4x32768xf32, #tpu.memory_space<hbm>> -> memref<1x1x2048xf32, #tpu.memory_space<hbm>>
    %dma_wait3A_271 = tpu.memref_squeeze %dma_wait3A_270 : memref<1x1x2048xf32, #tpu.memory_space<hbm>> -> memref<2048xf32, #tpu.memory_space<hbm>>
    %dma_wait3A_272 = arith.constant 2048 : i32
    %dma_wait3A_273 = tpu.memref_slice %arg7[%dma_wait3A_260, %dma_wait3A_272] : memref<4x8192xf32, #tpu.memory_space<vmem>> -> memref<1x2048xf32, #tpu.memory_space<vmem>>
    %dma_wait3A_274 = tpu.memref_squeeze %dma_wait3A_273 : memref<1x2048xf32, #tpu.memory_space<vmem>> -> memref<2048xf32, #tpu.memory_space<vmem>>
    tpu.wait_dma2 semaphore(%arg16 : memref<!tpu.dma_semaphore, #tpu.memory_space<semaphore_mem>>) src(%dma_wait3A_274 : memref<2048xf32, #tpu.memory_space<vmem>>) dst(%dma_wait3A_271 : memref<2048xf32, #tpu.memory_space<hbm>>)
    %dma_wait3A_275 = arith.constant 3 : i32
    %dma_wait3A_276 = arith.constant 0 : i32
    %dma_wait3A_277 = arith.constant 0 : i32
    %dma_wait3A_278 = arith.constant 4096 : i32
    %dma_wait3A_279 = tpu.memref_slice %arg7[%dma_wait3A_275, %dma_wait3A_278] : memref<4x8192xf32, #tpu.memory_space<vmem>> -> memref<1x2048xf32, #tpu.memory_space<vmem>>
    %dma_wait3A_280 = tpu.memref_squeeze %dma_wait3A_279 : memref<1x2048xf32, #tpu.memory_space<vmem>> -> memref<2048xf32, #tpu.memory_space<vmem>>
    %dma_wait3A_281 = arith.constant 0 : i32
    %dma_wait3A_282 = tpu.memref_slice %arg4[%dma_wait3A_276, %dma_wait3A_277, %dma_wait3A_281] : memref<200x4x32768xf32, #tpu.memory_space<hbm>> -> memref<1x1x2048xf32, #tpu.memory_space<hbm>>
    %dma_wait3A_283 = tpu.memref_squeeze %dma_wait3A_282 : memref<1x1x2048xf32, #tpu.memory_space<hbm>> -> memref<2048xf32, #tpu.memory_space<hbm>>
    %dma_wait3A_284 = arith.constant 0 : i32
    %dma_wait3A_285 = tpu.memref_slice %arg4[%dma_wait3A_276, %dma_wait3A_277, %dma_wait3A_284] : memref<200x4x32768xf32, #tpu.memory_space<hbm>> -> memref<1x1x2048xf32, #tpu.memory_space<hbm>>
    %dma_wait3A_286 = tpu.memref_squeeze %dma_wait3A_285 : memref<1x1x2048xf32, #tpu.memory_space<hbm>> -> memref<2048xf32, #tpu.memory_space<hbm>>
    %dma_wait3A_287 = arith.constant 4096 : i32
    %dma_wait3A_288 = tpu.memref_slice %arg7[%dma_wait3A_275, %dma_wait3A_287] : memref<4x8192xf32, #tpu.memory_space<vmem>> -> memref<1x2048xf32, #tpu.memory_space<vmem>>
    %dma_wait3A_289 = tpu.memref_squeeze %dma_wait3A_288 : memref<1x2048xf32, #tpu.memory_space<vmem>> -> memref<2048xf32, #tpu.memory_space<vmem>>
    tpu.wait_dma2 semaphore(%arg16 : memref<!tpu.dma_semaphore, #tpu.memory_space<semaphore_mem>>) src(%dma_wait3A_289 : memref<2048xf32, #tpu.memory_space<vmem>>) dst(%dma_wait3A_286 : memref<2048xf32, #tpu.memory_space<hbm>>)
    %dma_wait3A_290 = arith.constant 3 : i32
    %dma_wait3A_291 = arith.constant 0 : i32
    %dma_wait3A_292 = arith.constant 0 : i32
    %dma_wait3A_293 = arith.constant 6144 : i32
    %dma_wait3A_294 = tpu.memref_slice %arg7[%dma_wait3A_290, %dma_wait3A_293] : memref<4x8192xf32, #tpu.memory_space<vmem>> -> memref<1x2048xf32, #tpu.memory_space<vmem>>
    %dma_wait3A_295 = tpu.memref_squeeze %dma_wait3A_294 : memref<1x2048xf32, #tpu.memory_space<vmem>> -> memref<2048xf32, #tpu.memory_space<vmem>>
    %dma_wait3A_296 = arith.constant 0 : i32
    %dma_wait3A_297 = tpu.memref_slice %arg4[%dma_wait3A_291, %dma_wait3A_292, %dma_wait3A_296] : memref<200x4x32768xf32, #tpu.memory_space<hbm>> -> memref<1x1x2048xf32, #tpu.memory_space<hbm>>
    %dma_wait3A_298 = tpu.memref_squeeze %dma_wait3A_297 : memref<1x1x2048xf32, #tpu.memory_space<hbm>> -> memref<2048xf32, #tpu.memory_space<hbm>>
    %dma_wait3A_299 = arith.constant 0 : i32
    %dma_wait3A_300 = tpu.memref_slice %arg4[%dma_wait3A_291, %dma_wait3A_292, %dma_wait3A_299] : memref<200x4x32768xf32, #tpu.memory_space<hbm>> -> memref<1x1x2048xf32, #tpu.memory_space<hbm>>
    %dma_wait3A_301 = tpu.memref_squeeze %dma_wait3A_300 : memref<1x1x2048xf32, #tpu.memory_space<hbm>> -> memref<2048xf32, #tpu.memory_space<hbm>>
    %dma_wait3A_302 = arith.constant 6144 : i32
    %dma_wait3A_303 = tpu.memref_slice %arg7[%dma_wait3A_290, %dma_wait3A_302] : memref<4x8192xf32, #tpu.memory_space<vmem>> -> memref<1x2048xf32, #tpu.memory_space<vmem>>
    %dma_wait3A_304 = tpu.memref_squeeze %dma_wait3A_303 : memref<1x2048xf32, #tpu.memory_space<vmem>> -> memref<2048xf32, #tpu.memory_space<vmem>>
    tpu.wait_dma2 semaphore(%arg16 : memref<!tpu.dma_semaphore, #tpu.memory_space<semaphore_mem>>) src(%dma_wait3A_304 : memref<2048xf32, #tpu.memory_space<vmem>>) dst(%dma_wait3A_301 : memref<2048xf32, #tpu.memory_space<hbm>>)
    return
  }
}

</mosaic_0001>

<sc_bundles>
// kernel: kernel.3.cloned.1.call-start
scs
__scs_entry_jumppad:
0x0: {  	(pc) =	sbr.rel $0x88, $3  }
0x1: {  	(tag) =	ssettag $0x0;
	lr =	simm.s32 $0x1  }
0x2: {  	[smem:$0x3F9F] =	sst lr;
	_ =	strace $0xD0000000  }
0x3: {  	_ = 	snop  }
0x4: {  	_ = 	snop  }
0x5: {  	_ = 	snop  }
0x6: {  	_ = 	snop  }
0x7: {  	_ = 	snop  }
__scs_overlays_trampoline_lowered:
0x8: {  	[smem:$0x3FAE] =	sst s0  }
0x9: {  	[smem:$0x3FAF] =	sst s1  }
0xa: {  	[smem:$0x3FB0] =	sst s2  }
0xb: {  	[smem:$0x3FB1] =	sst s3  }
0xc: {  	[smem:$0x3FB2] =	sst s4  }
0xd: {  	[smem:$0x3FB3] =	sst s5  }
0xe: {  	[smem:$0x3FB4] =	sst s6  }
0xf: {  	[smem:$0x3FB5] =	sst s7  }
0x10: {  	[smem:$0x3FB6] =	sst s8  }
0x11: {  	[smem:$0x3FB7] =	sst s9;
	s0 =	simm.s32 @!p0 $0x0  }
0x12: {  	s1 =	sld [smem:$0x3F9D];
	s0 =	simm.s32 @p0 $0x1  }
0x13: {  	[smem:$0x3FB8] =	sst s0;
	s0 =	simm.s32 @!p1 $0x0  }
0x14: {  	s2 =	sld [smem:$0x3F9C];
	s0 =	simm.s32 @p1 $0x1  }
0x15: {  	[smem:$0x3FB9] =	sst s0;
	s0 =	simm.s32 @!p2 $0x0  }
0x16: {  	s3 =	sld [smem:$0x3FDB];
	s0 =	simm.s32 @p2 $0x1  }
0x17: {  	s4 =	simm.s32 $0x1BF5;
	[smem:$0x3FBB] =	sst s0  }
0x18: {  	s0 =	sld [smem:$0x3F9E];
	_ =	swait.ge [sflag:s4], $0x0  }
0x19: {  	s7 =	sld [smem:$0x3F9F]  }
0x1a: {  	s8 =	sadd.s32 $0xFFFFE003, lr  }
0x1b: {  	s9 =	sadd.s32 $0xFFFFFEF7, lr;
	s5 =	simm.s32 $0xFFFFFFFF;
	p2 =	slt.u32 s8, $0xFFFFF086  }
0x1c: {  	p1 =	slt.u32 s9, $0xF7A;
	s5 =	simm.s32 @!p2 $0x0  }
0x1d: {  	s5 =	simm.s32 @p1 $0x1;
	p0 =	seq.s32 s7, s2  }
0x1e: {  	s7 =	smul.u32 @!p0 $0xF7A, s2;
	p2 =	seq.s32 @!p0 s5, $0x0  }
0x1f: {  	s9 =	smul.u32 $0xF7A, s1;
	s8 =	simm.s32 @!p0 $0x1BF5;
	p2 =	por !p2, p0  }
0x20: {  	[sflag:s8] =	ssyncset.s32 @!p0 $0xFFFFF086;
	s6 =	sadd.s32 @!p0 s3, s7;
	s7 =	simm.s32 @!p0 $0x108  }
0x21: {  	s3 =	sadd.s32 s3, s9;
	s6 =	sadd.s32 @!p0 $0x88, s6;
	s7 =	simm.s32 @p2 $0x1082  }
0x22: {  	[simem:s7], [sflag:s8] =	dma.local @!p0 [hbm:s6], $0xF7A  }
0x23: {  	s9 =	sor.u32 $0xD0000000, s2;
	s6 =	simm.s32 $0x108;
	_ =	swait.ge @!p0 [sflag:s8], $0x0  }
0x24: {  	s3 =	sadd.s32 $0x88, s3;
	s6 =	simm.s32 @!p1 $0x1082;
	[sflag:s4] =	ssyncset.s32 $0xFFFFF086  }
0x25: {  	[simem:s6], [sflag:s4] =	dma.local [hbm:s3], $0xF7A  }
0x26: {  	[smem:$0x3F9F] =	sst s1;
	(tag) =	ssettag s2;
	_ =	strace s9  }
0x27: {  	s1 =	sld [smem:$0x3FAF]  }
0x28: {  	s2 =	sld [smem:$0x3FB0]  }
0x29: {  	s4 =	sld [smem:$0x3FB2]  }
0x2a: {  	p0 =	seq.s32 s5, $0x0;
	s5 =	sld [smem:$0x3FB3]  }
0x2b: {  	s6 =	sld [smem:$0x3FB4]  }
0x2c: {  	s7 =	sld [smem:$0x3FB5]  }
0x2d: {  	s3 =	simm.s32 $0x108;
	s8 =	sld [smem:$0x3FB6]  }
0x2e: {  	s3 =	simm.s32 @!p0 $0x1082;
	s9 =	sld [smem:$0x3FB7]  }
0x2f: {  	lr =	sadd.s32 s0, s3;
	s0 =	sld [smem:$0x3FAE]  }
0x30: {  	s3 =	sld [smem:$0x3FB1]  }
0x31: {  	[smem:$0x3FBA] =	sst s10  }
0x32: {  	s10 =	sld [smem:$0x3FB8];
	_ =	sdelay $0x3  }
0x33: {  	p0 =	seq.s32 s10, $0x1;
	s10 =	sld [smem:$0x3FBA];
	_ =	sdelay $0x3  }
0x34: {  	[smem:$0x3FBA] =	sst s10  }
0x35: {  	s10 =	sld [smem:$0x3FB9];
	_ =	sdelay $0x3  }
0x36: {  	p1 =	seq.s32 s10, $0x1;
	s10 =	sld [smem:$0x3FBA];
	_ =	sdelay $0x3  }
0x37: {  	[smem:$0x3FBA] =	sst s10  }
0x38: {  	s10 =	sld [smem:$0x3FBB]  }
0x39: {  	_ = 	snop;
	(pc) =	sbr.ind lr, $3  }
0x3a: {  	_ = 	snop  }
0x3b: {  	_ = 	snop  }
0x3c: {  	p2 =	seq.s32 s10, $0x1;
	s10 =	sld [smem:$0x3FBA]  }
0x3d: {  	_ =	shalt  }
0x3e: {  	_ =	shalt  }
0x3f: {  	_ =	shalt  }
0x40: {  	_ =	shalt  }
0x41: {  	_ =	shalt  }
0x42: {  	_ =	shalt  }
0x43: {  	_ =	shalt  }
0x44: {  	_ =	shalt  }
0x45: {  	_ =	shalt  }
0x46: {  	_ =	shalt  }
0x47: {  	_ =	shalt  }
0x48: {  	_ =	shalt  }
0x49: {  	_ =	shalt  }
0x4a: {  	_ =	shalt  }
0x4b: {  	_ =	shalt  }
0x4c: {  	_ =	shalt  }
0x4d: {  	_ =	shalt  }
0x4e: {  	_ =	shalt  }
0x4f: {  	_ =	shalt  }
0x50: {  	_ =	shalt  }
0x51: {  	_ =	shalt  }
0x52: {  	_ =	shalt  }
0x53: {  	_ =	shalt  }
0x54: {  	_ =	shalt  }
0x55: {  	_ =	shalt  }
0x56: {  	_ =	shalt  }
0x57: {  	_ =	shalt  }
0x58: {  	_ =	shalt  }
0x59: {  	_ =	shalt  }
0x5a: {  	_ =	shalt  }
0x5b: {  	_ =	shalt  }
0x5c: {  	_ =	shalt  }
0x5d: {  	_ =	shalt  }
0x5e: {  	_ =	shalt  }
0x5f: {  	_ =	shalt  }
0x60: {  	_ =	shalt  }
0x61: {  	_ =	shalt  }
0x62: {  	_ =	shalt  }
0x63: {  	_ =	shalt  }
0x64: {  	_ =	shalt  }
0x65: {  	_ =	shalt  }
0x66: {  	_ =	shalt  }
0x67: {  	_ =	shalt  }
0x68: {  	_ =	shalt  }
0x69: {  	_ =	shalt  }
0x6a: {  	_ =	shalt  }
0x6b: {  	_ =	shalt  }
0x6c: {  	_ =	shalt  }
0x6d: {  	_ =	shalt  }
0x6e: {  	_ =	shalt  }
0x6f: {  	_ =	shalt  }
0x70: {  	_ =	shalt  }
0x71: {  	_ =	shalt  }
0x72: {  	_ =	shalt  }
0x73: {  	_ =	shalt  }
0x74: {  	_ =	shalt  }
0x75: {  	_ =	shalt  }
0x76: {  	_ =	shalt  }
0x77: {  	_ =	shalt  }
0x78: {  	_ =	shalt  }
0x79: {  	_ =	shalt  }
0x7a: {  	_ =	shalt  }
0x7b: {  	_ =	shalt  }
0x7c: {  	_ =	shalt  }
0x7d: {  	_ =	shalt  }
0x7e: {  	_ =	shalt  }
0x7f: {  	_ =	shalt  }
0x80: {  	_ =	shalt  }
0x81: {  	_ =	shalt  }
0x82: {  	_ =	shalt  }
0x83: {  	_ =	shalt  }
0x84: {  	_ =	shalt  }
0x85: {  	_ =	shalt  }
0x86: {  	_ =	shalt  }
0x87: {  	_ =	shalt  }
.Lfunc_end0:
.L_simem_size_0:
called_computation_lowered:
.L_overlay_start_0:
0x88: {  	s2 =	sld [smem:$0x3FD9]  }
0x89: {  	s3 =	sld [smem:$0x3FFE];
	_ =	sdelay $0x1  }
0x8a: {  	s1 =	srdreg.scid  }
0x8b: {  	s0 =	sand.u32 $0x1, s1  }
0x8c: {  	s17 =	sshll.u32 s0, $0xA;
	s2 =	sadd.s32 s3, s2  }
0x8d: {  	s2 =	sadd.s32 s2, s17  }
0x8e: {  	[smem:$0x3FC6] =	sst s2  }
0x8f: {  	_ = 	snop  }
0x90: {  	s2 =	sld [smem:$0x3FD0];
	(tm) =	ssettm $0x1  }
0x91: {  	s18 =	sld [smem:$0x3FFB];
	_ =	sdelay $0x3  }
0x92: {  	_ =	strace s18  }
0x93: {  	s3 =	sld [smem:$0x3FFC];
	_ =	sdelay $0x3  }
0x94: {  	_ =	strace s3  }
0x95: {  	s3 =	sld [smem:$0x3FFD];
	_ =	sdelay $0x3  }
0x96: {  	_ =	strace s3  }
0x97: {  	_ =	strace $0x8FFFFFFF  }
0x98: {  	s19 =	sld [smem:$0x3FDB];
	_ =	sdelay $0x1  }
0x99: {  	s4 =	simm.s32 $_scs_section_size  }
0x9a: {  	s5 =	simm.s32 $_size__tile_overlayer_lowered;
	s6 =	simm.s32 $_tile_overlayer_lowered  }
0x9b: {  	s22 =	simm.s32 $0x1BFF;
	s21 =	sshll.u32 s6, $0x1;
	s3 =	sadd.s32 s4, s19  }
0x9c: {  	s7 =	simm.s32 $0x0;
	s20 =	sshll.u32 s5, $0x1;
	s5 =	sadd.s32 s21, s3  }
0x9d: {  	[timem:s7], [sflag:s22] =	dma.local [hbm:s5], s20  }
0x9e: {  	_ =	swait.ge [sflag:s22], s20  }
0x9f: {  	s4 =	ssub.s32 $0x0, s20;
	[sflag:s22] =	ssyncset.done $0x0  }
0xa0: {  	[sflag:s22] =	ssyncadd.s32 s4;
	_ =	sdelay $0x1  }
0xa1: {  	s23 =	simm.s32 $0x1B8B  }
0xa2: {  	_ =	swait.ge [sflag:s23], $0x1  }
0xa3: {  	[sflag:s23] =	ssyncset.done $0x0  }
0xa4: {  	s25 =	simm.s32 $0x1B8E;
	s24 =	sld [smem:$0x3FFE];
	[sflag:s23] =	ssyncadd.s32 $0xFFFFFFFF  }
0xa5: {  	s26 =	simm.s32 $execute0_lowered;
	[smem:$0x3FD2] =	sst s25  }
0xa6: {  	s5 =	sshll.u32 s26, $0x1;
	_ =	strace $0x80000046;
	[dreg:$0x1] =	wrdreg $0xFFFFFFFF  }
0xa7: {  	s28 =	simm.s32 $_size_execute0_lowered;
	s3 =	sadd.s32 s3, s5;
	[dreg:$0x0] =	wrdreg $0x0  }
0xa8: {  	s5 =	sshll.u32 s28, $0x1;
	[dreg:$0x2] =	wrdreg s3  }
0xa9: {  	[dreg:$0x3] =	wrdreg s5  }
0xaa: {  	[dreg:$0x4] =	wrdreg $0xC0  }
0xab: {  	_ =	task [dreg:s7], $0x5FFFF  }
0xac: {  	[dreg:$0x1] =	wrdreg $0xFFFFFFFF  }
0xad: {  	[dreg:$0x0] =	wrdreg $0x60  }
0xae: {  	[dreg:$0x2] =	wrdreg s24  }
0xaf: {  	[dreg:$0x3] =	wrdreg s2  }
0xb0: {  	[dreg:$0x4] =	wrdreg $0x9  }
0xb1: {  	_ =	task.clear_ibuf [dreg:s7], $0x5FFFF;
	_ =	strace $0x90000046  }
0xb2: {  	s29 =	simm.s32 $0x9;
	_ =	strace $0x80000048  }
0xb3: {  	_ =	swait.ge [sflag:s29], $0x1  }
0xb4: {  	[sflag:s29] =	ssyncadd.s32 $0xFFFFFFFF  }
0xb5: {  	_ =	strace $0x90000048  }
0xb6: {  	_ =	sfence  }
0xb7: {  	s30 =	sld [smem:$0x0];
	_ =	sdelay $0x2  }
0xb8: {  	s31 =	sshll.u32 s1, $0xD;
	s1 =	sshrl.u32 s1, $0x2  }
0xb9: {  	s3 =	sand.u32 $0x4000, s31;
	s1 =	sadd.s32 s1, s30  }
0xba: {  	s0 =	sor.u32 s3, s0;
	s1 =	sshll.u32 s1, $0x11  }
0xbb: {  	s0 =	sor.u32 s1, s0  }
0xbc: {  	s0 =	sadd.s32 $0x8F2B, s0  }
0xbd: {  	[sflag:s0] =	ssyncadd.remote.s32 $0x1  }
0xbe: {  	_ =	sfence.sel $0xFFFF  }
0xbf: {  	[dreg:$0x0] =	wrdreg $0xFFFFFFFF;
	(pc) =	sbr.abs _section_cstart, $3  }
0xc0: {  	[dreg:$0x1] =	wrdreg $0xFFFFFFFF  }
0xc1: {  	_ =	task.clear_ibuf [dreg:s7], $0x2FFFF;
	_ =	strace $0x9FFFFFFF  }
0xc2: {  	(tm) =	ssettm $0x7FFFFFFF  }
0xc3: {  	_ =	shalt  }
tec
execute0_lowered:
.L_overlay_start_1:
0x0: {  	(tag) =	ssettag $0x1  }
0x1: {  	v0 =	vimm.s32 $0xB80;
	vm0 =	vcmask $0x300;
	v1 =	vimm.s32 $0x1B80  }
0x2: {  	vm1 =	vcmask $0x704;
	v0 =	vsel vm0, $0x0, v0;
	v1 =	vsel vm0, $0x1000, v1  }
0x3: {  	vm15 =	vcmask $0xB08;
	v0 =	vsel vm1, $0x80, v0;
	v1 =	vsel vm1, $0x1080, v1  }
0x4: {  	vm4 =	vcmask $0xF0C;
	v0 =	vsel vm15, $0x100, v0;
	v1 =	vsel vm15, $0x1100, v1  }
0x5: {  	vm5 =	vcmask $0x1310;
	v0 =	vsel vm4, $0x180, v0;
	v1 =	vsel vm4, $0x1180, v1  }
0x6: {  	s0 =	rddreg [dreg:$0x0];
	s1 =	srdreg.scid;
	vm6 =	vcmask $0x1714;
	v0 =	vsel vm5, $0x200, v0;
	v1 =	vsel vm5, $0x1200, v1  }
0x7: {  	s3 =	stileid.u32;
	s2 =	rddreg [dreg:$0x1];
	vm7 =	vcmask $0x1B18;
	s20 =	simm.s32 $0xE400;
	v0 =	vsel vm6, $0x280, v0;
	v1 =	vsel vm6, $0x1280, v1  }
0x8: {  	vm8 =	vcmask $0x1F1C;
	s25 =	simm.s32 $0x10400;
	s30 =	simm.s32 $0x4;
	s31 =	simm.s32 $0x12400;
	v0 =	vsel vm7, $0x300, v0;
	v1 =	vsel vm7, $0x1300, v1  }
0x9: {  	vm9 =	vcmask $0x2320;
	s14 =	simm.s32 $0x5;
	s1 =	sand.u32 $0x1, s1;
	s4 =	sshll.u32 s3, $0x1;
	v0 =	vsel vm8, $0x380, v0;
	v1 =	vsel vm8, $0x1380, v1  }
0xa: {  	vm10 =	vcmask $0x2724;
	s15 =	simm.s32 $0x14400;
	s3 =	simm.s32 $0x0;
	s5 =	sor.u32 s1, s4;
	v0 =	vsel vm9, $0x800, v0;
	v1 =	vsel vm9, $0x1800, v1  }
0xb: {  	vm11 =	vcmask $0x2B28;
	s8 =	sadd.s32 $0x2000, s2;
	s1 =	ssub.s32 $0x2, s1;
	s4 =	smul.u32 $0xC80, s5;
	v0 =	vsel vm10, $0x880, v0;
	v1 =	vsel vm10, $0x1880, v1  }
.Ltmp0:
0xc: {  	vm12 =	vcmask $0x2F2C;
	[smem:$0x7FF] =	sst s3;
	s6 =	sshrl.u32 s1, $0x1;
	v0 =	vsel vm11, $0x900, v0;
	v1 =	vsel vm11, $0x1900, v1;
	(pc) =	sbr.rel .LBB2_1-.Ltmp0, $4  }
0xd: {  	vm13 =	vcmask $0x3330;
	s9 =	sadd.s32 $0x3000, s2;
	_ =	strace $0x80000047;
	s28 =	ssub.s32 s1, s6;
	v0 =	vsel vm12, $0x980, v0;
	v1 =	vsel vm12, $0x1980, v1  }
0xe: {  	vm14 =	vcmask $0x3734;
	s7 =	sadd.s32 s4, s0;
	s4 =	sadd.s32 $0xF42A00, s0;
	s0 =	smax.u32 s28, $0x1;
	v0 =	vsel vm13, $0xA00, v0;
	v1 =	vsel vm13, $0x1A00, v1  }
0xf: {  	s5 =	smul.u32 $0x64, s5;
	vm15 =	vcmask $0x3B38;
	s29 =	sadd.s32 $0x600, s7;
	[dreg:$0x4] =	wrdreg s0;
	v0 =	vsel vm14, $0xA80, v0;
	v1 =	vsel vm14, $0x1A80, v1  }
0x10: {  	s6 =	simm.s32 $0x0;
	s7 =	sadd.s32 $0x1000, s2;
	[dreg:$0x3] =	wrdreg s29;
	v0 =	vsel vm15, $0xB00, v0;
	v1 =	vsel vm15, $0x1B00, v1  }
.LBB2_12:
0x11: {  	s0 =	simm.s32 $0x6  }
0x12: {  	_ =	swait.ge [sflag:s0], $0x800  }
0x13: {  	[sflag:s0] =	ssyncset.done $0x0  }
0x14: {  	[sflag:s0] =	ssyncadd.s32 $0xFFFFF800  }
0x15: {  	_ =	swait.ge [sflag:s0], $0x800  }
0x16: {  	[sflag:s0] =	ssyncset.done $0x0  }
0x17: {  	[sflag:s0] =	ssyncadd.s32 $0xFFFFF800  }
0x18: {  	_ =	swait.ge [sflag:s0], $0x800  }
0x19: {  	[sflag:s0] =	ssyncset.done $0x0  }
0x1a: {  	[sflag:s0] =	ssyncadd.s32 $0xFFFFF800  }
0x1b: {  	_ =	swait.ge [sflag:s0], $0x800  }
0x1c: {  	[sflag:s0] =	ssyncset.done $0x0  }
0x1d: {  	s26 =	simm.s32 $0x7;
	[sflag:s0] =	ssyncadd.s32 $0xFFFFF800  }
0x1e: {  	_ =	swait.ge [sflag:s26], $0x800  }
0x1f: {  	[sflag:s26] =	ssyncset.done $0x0  }
0x20: {  	[sflag:s26] =	ssyncadd.s32 $0xFFFFF800  }
0x21: {  	_ =	swait.ge [sflag:s26], $0x800  }
0x22: {  	[sflag:s26] =	ssyncset.done $0x0  }
0x23: {  	[sflag:s26] =	ssyncadd.s32 $0xFFFFF800  }
0x24: {  	_ =	swait.ge [sflag:s26], $0x800  }
0x25: {  	[sflag:s26] =	ssyncset.done $0x0  }
0x26: {  	[sflag:s26] =	ssyncadd.s32 $0xFFFFF800  }
0x27: {  	_ =	swait.ge [sflag:s26], $0x800  }
0x28: {  	[sflag:s26] =	ssyncset.done $0x0  }
0x29: {  	s28 =	simm.s32 $0x8;
	[sflag:s26] =	ssyncadd.s32 $0xFFFFF800  }
0x2a: {  	_ =	swait.ge [sflag:s28], $0x800  }
0x2b: {  	[sflag:s28] =	ssyncset.done $0x0  }
0x2c: {  	[sflag:s28] =	ssyncadd.s32 $0xFFFFF800  }
0x2d: {  	_ =	swait.ge [sflag:s28], $0x800  }
0x2e: {  	[sflag:s28] =	ssyncset.done $0x0  }
0x2f: {  	[sflag:s28] =	ssyncadd.s32 $0xFFFFF800  }
0x30: {  	_ =	swait.ge [sflag:s28], $0x800  }
0x31: {  	[sflag:s28] =	ssyncset.done $0x0  }
0x32: {  	[sflag:s28] =	ssyncadd.s32 $0xFFFFF800  }
0x33: {  	_ =	swait.ge [sflag:s28], $0x800  }
0x34: {  	[sflag:s28] =	ssyncset.done $0x0  }
0x35: {  	s1 =	simm.s32 $0x9;
	[sflag:s28] =	ssyncadd.s32 $0xFFFFF800  }
0x36: {  	_ =	swait.ge [sflag:s1], $0x800  }
0x37: {  	[sflag:s1] =	ssyncset.done $0x0  }
0x38: {  	[sflag:s1] =	ssyncadd.s32 $0xFFFFF800  }
0x39: {  	_ =	swait.ge [sflag:s1], $0x800  }
0x3a: {  	[sflag:s1] =	ssyncset.done $0x0  }
0x3b: {  	[sflag:s1] =	ssyncadd.s32 $0xFFFFF800  }
0x3c: {  	_ =	swait.ge [sflag:s1], $0x800  }
0x3d: {  	[sflag:s1] =	ssyncset.done $0x0  }
0x3e: {  	[sflag:s1] =	ssyncadd.s32 $0xFFFFF800  }
0x3f: {  	_ =	swait.ge [sflag:s1], $0x800  }
0x40: {  	s6 =	rddreg [dreg:$0x5]  }
0x41: {  	s29 =	rddreg [dreg:$0x4];
	s6 =	sadd.s32 $0x1, s6  }
0x42: {  	p0 =	sne.s32 s6, s29  }
.Ltmp1:
0x43: {  	_ = 	snop;
	(pc) =	sbr.rel @!p0 .LBB2_13-.Ltmp1, $3  }
0x44: {  	_ =	sdelay $0x1  }
0x45: {  	[sflag:s1] =	ssyncset.done $0x0  }
0x46: {  	[sflag:s1] =	ssyncadd.s32 $0xFFFFF800  }
.LBB2_1:
0x47: {  	[dreg:$0x5] =	wrdreg s6  }
0x48: {  	s0 =	rddreg [dreg:$0x3];
	s21 =	simm.s32 $0x1  }
0x49: {  	[tilespmem:s3], [sflag:$0x1] =	stream.linear.gather [hbm4b:s0+s3], $0x6400, $0x38;
	[tilespmem:$0x16400] =	vst v63  }
0x4a: {  	_ =	swait.ge [sflag:s21], $0x6400  }
0x4b: {  	[sflag:s21] =	ssyncset.done $0x0  }
0x4c: {  	s22 =	simm.s32 $0x100;
	s1 =	simm.s32 $0x6400;
	[sflag:s21] =	ssyncadd.s32 $0xFFFF9C00  }
0x4d: {  	[tilespmem:s1], [sflag:$0x2] =	stream.indirect.gather [hbm4b:s4+s22], $0x20, s3, s22, $0xb8;
	[tilespmem:$0x16400] =	vst v63  }
0x4e: {  	s23 =	simm.s32 $0x8400  }
0x4f: {  	[tilespmem:s23], [sflag:$0x3] =	stream.indirect.gather [hbm4b:s4+s22], $0x20, s22, s22, $0xb8;
	[tilespmem:$0x16400] =	vst v63  }
0x50: {  	s24 =	simm.s32 $0x200;
	s26 =	simm.s32 $0xA400  }
0x51: {  	[tilespmem:s26], [sflag:$0x4] =	stream.indirect.gather [hbm4b:s4+s22], $0x20, s24, s22, $0xb8;
	[tilespmem:$0x16400] =	vst v63  }
0x52: {  	s28 =	simm.s32 $0x300;
	s29 =	simm.s32 $0xC400;
	s11 =	simm.s32 $0x0  }
0x53: {  	[tilespmem:s29], [sflag:$0x5] =	stream.indirect.gather [hbm4b:s4+s22], $0x20, s28, s22, $0xb8;
	[tilespmem:$0x16400] =	vst v63  }
.LBB2_2:
0x54: {  	s0 =	simm.s32 $0x2  }
0x55: {  	_ =	swait.ge [sflag:s0], $0x2000  }
0x56: {  	p0 =	seq.s32 s11, $0x0;
	[sflag:s0] =	ssyncset.done $0x0  }
0x57: {  	[sflag:s0] =	ssyncadd.s32 $0xFFFFE000;
	s0 =	simm.s32 @!p0 $0x6  }
0x58: {  	_ =	swait.ge @!p0 [sflag:s0], $0x800  }
0x59: {  	[sflag:s0] =	ssyncset.done @!p0 $0x0  }
0x5a: {  	[sflag:s0] =	ssyncadd.s32 @!p0 $0xFFFFF800  }
0x5b: {  	_ =	swait.ge @!p0 [sflag:s0], $0x800  }
0x5c: {  	[sflag:s0] =	ssyncset.done @!p0 $0x0  }
0x5d: {  	[sflag:s0] =	ssyncadd.s32 @!p0 $0xFFFFF800  }
0x5e: {  	_ =	swait.ge @!p0 [sflag:s0], $0x800  }
0x5f: {  	[sflag:s0] =	ssyncset.done @!p0 $0x0  }
0x60: {  	[sflag:s0] =	ssyncadd.s32 @!p0 $0xFFFFF800  }
0x61: {  	_ =	swait.ge @!p0 [sflag:s0], $0x800  }
0x62: {  	s26 =	simm.s32 $0x0;
	[sflag:s0] =	ssyncset.done @!p0 $0x0  }
0x63: {  	s22 =	simm.s32 $0x6480;
	s18 =	simm.s32 $0x0;
	[sflag:s0] =	ssyncadd.s32 @!p0 $0xFFFFF800  }
0x64: {  	s1 =	simm.s32 $0x3;
	s10 =	sand.u32 $0x78, s18;
	s0 =	sand.u32 $0x400, s26;
	v3 =	vld [tilespmem:s22+$0xFFFFFF80]  }
0x65: {  	s13 =	simm.s32 $0x4;
	s1 =	sand.u32 $0x7B, s1;
	s21 =	sor.u32 s10, s0;
	v7 =	vld [tilespmem:s22+$0xFFFFFFA0]  }
0x66: {  	s12 =	simm.s32 $0x5;
	s6 =	sand.u32 $0x7C, s13;
	s16 =	sor.u32 s1, s0;
	v2 =	vld [tilespmem:s22+$0x40];
	v4 =	vor.u32 s21, v0  }
0x67: {  	s29 =	simm.s32 $0x1;
	s17 =	sand.u32 $0x7D, s12;
	v8 =	vld [tilespmem:s22+$0xFFFFFFE0];
	s26 =	sor.u32 s6, s0;
	v5 =	vor.u32 s16, v0  }
0x68: {  	s19 =	simm.s32 $0x2;
	s10 =	sand.u32 $0x79, s29;
	v10 =	vld [tilespmem:s22+$0x0];
	s13 =	sor.u32 s17, s0;
	v9 =	vor.u32 s26, v0  }
0x69: {  	s23 =	sand.u32 $0x7A, s19;
	v16 =	vld [tilespmem:s22+$0x20];
	s28 =	sor.u32 s10, s0;
	v15 =	vor.u32 s13, v0  }
0x6a: {  	s24 =	simm.s32 $0x6;
	v6 =	vld [tilespmem:s22+$0x60];
	s23 =	sor.u32 s23, s0;
	s29 =	simm.s32 $0x7;
	v11 =	vor.u32 s28, v0  }
0x6b: {  	v18 =	vld [tilespmem:s22+$0xFFFFFFC0];
	s1 =	sand.u32 $0x7E, s24;
	v17 =	vor.u32 s23, v0;
	s10 =	sand.u32 $0x7F, s29;
	[tilespmem:v4+s20+$0x0] =	vst.idx.msk $0xffff, v3  }
0x6c: {  	s1 =	sor.u32 s1, s0;
	s0 =	sor.u32 s10, s0;
	[tilespmem:v5+s20+$0x0] =	vst.idx.msk $0xffff, v8;
	v3 =	vld [tilespmem:s22+$0xFFFFFF90]  }
0x6d: {  	v14 =	vor.u32 s0, v0;
	[tilespmem:v9+s20+$0x0] =	vst.idx.msk $0xffff, v10;
	v12 =	vld [tilespmem:s22+$0xFFFFFFF0]  }
0x6e: {  	v13 =	vor.u32 s16, v1;
	[tilespmem:v15+s20+$0x0] =	vst.idx.msk $0xffff, v16;
	v9 =	vld [tilespmem:s22+$0x10]  }
0x6f: {  	v4 =	vor.u32 s13, v1;
	v5 =	vor.u32 s1, v0;
	[tilespmem:v11+s20+$0x0] =	vst.idx.msk $0xffff, v7;
	v8 =	vld [tilespmem:s22+$0x30]  }
0x70: {  	s10 =	sshll.u32 s11, $0x2;
	v10 =	vor.u32 s28, v1;
	[tilespmem:v17+s20+$0x0] =	vst.idx.msk $0xffff, v18;
	s28 =	simm.s32 $0x6580;
	v11 =	vor.u32 s26, v1;
	s26 =	simm.s32 $0x40;
	v7 =	vld [tilespmem:s22+$0xFFFFFFB0]  }
.LBB2_3:
0x71: {  	s13 =	sadd.s32 $0x9, s18  }
0x72: {  	s16 =	sadd.s32 $0xB, s18;
	v15 =	vld [tilespmem:s22+$0xFFFFFFD0];
	[tilespmem:v14+s20+$0x0] =	vst.idx.msk $0xffff, v6;
	s29 =	smov.u32 s18;
	s18 =	sadd.s32 $0x8, s18  }
0x73: {  	s17 =	sand.u32 $0x400, s26;
	v6 =	vor.u32 s0, v1;
	s16 =	sand.u32 $0x7B, s16;
	s6 =	sadd.s32 $0xC, s29;
	[tilespmem:v13+s20+$0x0] =	vst.idx.msk $0xffff, v12;
	v12 =	vld [tilespmem:s22+$0x70]  }
0x74: {  	v14 =	vor.u32 s21, v1;
	v16 =	vor.u32 s1, v1;
	s0 =	sand.u32 $0x79, s13;
	s12 =	sadd.s32 $0xE, s29;
	v13 =	vld [tilespmem:s28+$0xFFFFFF80];
	s16 =	sor.u32 s16, s17;
	[tilespmem:v5+s20+$0x0] =	vst.idx.msk $0xffff, v2  }
0x75: {  	v18 =	vor.u32 s23, v1;
	s1 =	sand.u32 $0x78, s18;
	s13 =	sor.u32 s0, s17;
	s0 =	sadd.s32 $0xD, s29;
	v17 =	vor.u32 s16, v0;
	[tilespmem:v11+s20+$0x0] =	vst.idx.msk $0xffff, v9;
	v9 =	vld [tilespmem:s22+$0x50]  }
0x76: {  	s21 =	sor.u32 s1, s17;
	s1 =	sadd.s32 $0xF, s29;
	v11 =	vor.u32 s13, v0;
	s0 =	sand.u32 $0x7D, s0;
	v19 =	vld [tilespmem:s28+$0xFFFFFFA0];
	[tilespmem:v10+s20+$0x0] =	vst.idx.msk $0xffff, v7  }
0x77: {  	s6 =	sand.u32 $0x7C, s6;
	s12 =	sand.u32 $0x7E, s12;
	s22 =	sand.u32 $0x7F, s1;
	v7 =	vor.u32 s21, v0;
	v2 =	vld [tilespmem:s28+$0x40];
	[tilespmem:v4+s20+$0x0] =	vst.idx.msk $0xffff, v8  }
0x78: {  	s6 =	sor.u32 s6, s17;
	s1 =	sor.u32 s12, s17;
	s0 =	sor.u32 s0, s17;
	v8 =	vld [tilespmem:s28+$0xFFFFFFE0];
	[tilespmem:v6+s20+$0x0] =	vst.idx.msk $0xffff, v12  }
0x79: {  	p1 =	slt.u32 s18, $0xF8;
	s12 =	sadd.s32 $0xA, s29;
	v10 =	vor.u32 s6, v0;
	v21 =	vor.u32 s0, v0;
	v4 =	vor.u32 s0, v1;
	s0 =	sor.u32 s22, s17;
	v20 =	vld [tilespmem:s28+$0x0];
	[tilespmem:v14+s20+$0x0] =	vst.idx.msk $0xffff, v3  }
0x7a: {  	s12 =	sand.u32 $0x7A, s12;
	v5 =	vor.u32 s1, v0;
	s22 =	smov.u32 s28;
	v6 =	vld [tilespmem:s28+$0x60];
	[tilespmem:v16+s20+$0x0] =	vst.idx.msk $0xffff, v9  }
0x7b: {  	s23 =	sor.u32 s12, s17;
	v16 =	vld [tilespmem:s28+$0x20];
	[tilespmem:v18+s20+$0x0] =	vst.idx.msk $0xffff, v15  }
0x7c: {  	v15 =	vor.u32 s23, v0;
	[tilespmem:v7+s20+$0x0] =	vst.idx.msk $0xffff, v13;
	v18 =	vld [tilespmem:s28+$0xFFFFFFC0]  }
.Ltmp2:
0x7d: {  	v14 =	vor.u32 s0, v0;
	v3 =	vld [tilespmem:s28+$0xFFFFFF90];
	[tilespmem:v17+s20+$0x0] =	vst.idx.msk $0xffff, v8;
	(pc) =	sbr.rel @p1 .LBB2_3-.Ltmp2, $4  }
0x7e: {  	v13 =	vor.u32 s16, v1;
	v12 =	vld [tilespmem:s28+$0xFFFFFFF0];
	[tilespmem:v10+s20+$0x0] =	vst.idx.msk $0xffff, v20  }
0x7f: {  	[tilespmem:v11+s20+$0x0] =	vst.idx.msk $0xffff, v19;
	v9 =	vld [tilespmem:s28+$0x10]  }
0x80: {  	v11 =	vor.u32 s6, v1;
	v7 =	vld [tilespmem:s28+$0xFFFFFFB0];
	[tilespmem:v21+s20+$0x0] =	vst.idx.msk $0xffff, v16  }
0x81: {  	s26 =	sadd.s32 $0x40, s26;
	v10 =	vor.u32 s13, v1;
	s28 =	sadd.s32 $0x100, s28;
	[tilespmem:v15+s20+$0x0] =	vst.idx.msk $0xffff, v18;
	v8 =	vld [tilespmem:s22+$0x30]  }
0x82: {  	_ =	sdelay $0x3  }
0x83: {  	[tilespmem:v14+s20+$0x0] =	vst.idx.msk $0xffff, v6  }
0x84: {  	v6 =	vor.u32 s0, v1;
	[tilespmem:v13+s20+$0x0] =	vst.idx.msk $0xffff, v12;
	v12 =	vld [tilespmem:s22+$0x70]  }
0x85: {  	[tilespmem:v5+s20+$0x0] =	vst.idx.msk $0xffff, v2;
	v13 =	vor.u32 s21, v1  }
0x86: {  	v2 =	vor.u32 s1, v1;
	v5 =	vld [tilespmem:s22+$0x50];
	[tilespmem:v11+s20+$0x0] =	vst.idx.msk $0xffff, v9  }
0x87: {  	v9 =	vld [tilespmem:s22+$0xFFFFFFD0];
	v11 =	vor.u32 s23, v1;
	[tilespmem:v10+s20+$0x0] =	vst.idx.msk $0xffff, v7  }
0x88: {  	s21 =	sadd.s32 s5, s10;
	[tilespmem:v4+s20+$0x0] =	vst.idx.msk $0xffff, v8  }
0x89: {  	s22 =	sshll.u32 s21, $0x8;
	s0 =	sshll.u32 s21, $0xA;
	[tilespmem:v6+s20+$0x0] =	vst.idx.msk $0xffff, v12  }
0x8a: {  	s1 =	sand.u32 $0xC00, s22;
	s0 =	sand.u32 $0xFFFC000, s0;
	[tilespmem:v13+s20+$0x0] =	vst.idx.msk $0xffff, v3  }
0x8b: {  	s0 =	sor.u32 s1, s0;
	[tilespmem:v2+s20+$0x0] =	vst.idx.msk $0xffff, v5  }
0x8c: {  	s1 =	sadd.s32 s2, s0;
	[tilespmem:v11+s20+$0x0] =	vst.idx.msk $0xffff, v9  }
0x8d: {  	[hbm4b:s1+s3] =	stream.linear.scatter [tilespmem:s20], [sflag:$0x6], $0x800, $0x38;
	[tilespmem:$0x16400] =	vst v63  }
0x8e: {  	s6 =	simm.s32 $0xEC00;
	s23 =	sadd.s32 s0, s7  }
0x8f: {  	[hbm4b:s23+s3] =	stream.linear.scatter [tilespmem:s6], [sflag:$0x6], $0x800, $0x38;
	[tilespmem:$0x16400] =	vst v63  }
0x90: {  	s26 =	simm.s32 $0xF400;
	s24 =	sadd.s32 s0, s8  }
0x91: {  	[hbm4b:s24+s3] =	stream.linear.scatter [tilespmem:s26], [sflag:$0x6], $0x800, $0x38;
	[tilespmem:$0x16400] =	vst v63  }
0x92: {  	p1 =	seq.s32 s11, $0x18;
	s0 =	sadd.s32 s0, s9;
	s6 =	simm.s32 $0xFC00  }
0x93: {  	[hbm4b:s0+s3] =	stream.linear.scatter [tilespmem:s6], [sflag:$0x6], $0x800, $0x38;
	[tilespmem:$0x16400] =	vst v63  }
0x94: {  	s0 =	sshll.u32 @!p1 s11, $0xA  }
0x95: {  	s12 =	simm.s32 $0x3;
	s18 =	sand.u32 @!p1 $0x3FFFFC00, s0  }
0x96: {  	s1 =	simm.s32 @!p1 $0x100;
	s6 =	simm.s32 @!p1 $0x6400;
	s0 =	sadd.s32 @!p1 $0x400, s18  }
0x97: {  	[tilespmem:s6], [sflag:$0x2] =	stream.indirect.gather @!p1 [hbm4b:s4+s1], $0x20, s0, s1, $0xb8;
	[tilespmem:$0x16400] =	vst v63  }
0x98: {  	_ =	swait.ge [sflag:s12], $0x2000  }
0x99: {  	[sflag:s12] =	ssyncset.done $0x0  }
0x9a: {  	s0 =	simm.s32 @!p0 $0x7;
	[sflag:s12] =	ssyncadd.s32 $0xFFFFE000  }
0x9b: {  	_ =	swait.ge @!p0 [sflag:s0], $0x800  }
0x9c: {  	[sflag:s0] =	ssyncset.done @!p0 $0x0  }
0x9d: {  	[sflag:s0] =	ssyncadd.s32 @!p0 $0xFFFFF800  }
0x9e: {  	_ =	swait.ge @!p0 [sflag:s0], $0x800  }
0x9f: {  	[sflag:s0] =	ssyncset.done @!p0 $0x0  }
0xa0: {  	[sflag:s0] =	ssyncadd.s32 @!p0 $0xFFFFF800  }
0xa1: {  	_ =	swait.ge @!p0 [sflag:s0], $0x800  }
0xa2: {  	[sflag:s0] =	ssyncset.done @!p0 $0x0  }
0xa3: {  	[sflag:s0] =	ssyncadd.s32 @!p0 $0xFFFFF800  }
0xa4: {  	_ =	swait.ge @!p0 [sflag:s0], $0x800  }
0xa5: {  	s13 =	simm.s32 $0x0;
	[sflag:s0] =	ssyncset.done @!p0 $0x0  }
0xa6: {  	s21 =	simm.s32 $0x0;
	s23 =	simm.s32 $0x84F0;
	[sflag:s0] =	ssyncadd.s32 @!p0 $0xFFFFF800  }
0xa7: {  	s16 =	simm.s32 $0x3;
	s17 =	sand.u32 $0x78, s21;
	s6 =	sand.u32 $0x400, s13;
	v3 =	vld [tilespmem:s23+$0xFFFFFF10]  }
0xa8: {  	s1 =	sand.u32 $0x7B, s16;
	s22 =	sor.u32 s17, s6;
	s12 =	simm.s32 $0x4;
	v7 =	vld [tilespmem:s23+$0xFFFFFF30]  }
0xa9: {  	s13 =	simm.s32 $0x5;
	s1 =	sor.u32 s1, s6;
	v4 =	vor.u32 s22, v0;
	s12 =	sand.u32 $0x7C, s12;
	v2 =	vld [tilespmem:s23+$0xFFFFFFD0]  }
0xaa: {  	s19 =	simm.s32 $0x1;
	s24 =	sand.u32 $0x7D, s13;
	v5 =	vor.u32 s1, v0;
	s12 =	sor.u32 s12, s6;
	v8 =	vld [tilespmem:s23+$0xFFFFFF70]  }
0xab: {  	s26 =	simm.s32 $0x2;
	s17 =	sor.u32 s24, s6;
	v9 =	vor.u32 s12, v0;
	s0 =	sand.u32 $0x79, s19;
	v10 =	vld [tilespmem:s23+$0xFFFFFF90]  }
0xac: {  	v15 =	vor.u32 s17, v0;
	s19 =	sand.u32 $0x7A, s26;
	s16 =	sor.u32 s0, s6;
	v16 =	vld [tilespmem:s23+$0xFFFFFFB0]  }
0xad: {  	s26 =	simm.s32 $0x7;
	v6 =	vld [tilespmem:s23+$0xFFFFFFF0];
	s28 =	sor.u32 s19, s6;
	v11 =	vor.u32 s16, v0  }
0xae: {  	v18 =	vld [tilespmem:s23+$0xFFFFFF50];
	s13 =	sand.u32 $0x7F, s26;
	v17 =	vor.u32 s28, v0;
	[tilespmem:v4+s25+$0x0] =	vst.idx.msk $0xffff, v3  }
0xaf: {  	s24 =	simm.s32 $0x6;
	s13 =	sor.u32 s13, s6;
	[tilespmem:v5+s25+$0x0] =	vst.idx.msk $0xffff, v8;
	v3 =	vld [tilespmem:s23+$0xFFFFFF20]  }
0xb0: {  	s0 =	sand.u32 $0x7E, s24;
	v14 =	vor.u32 s13, v0;
	[tilespmem:v9+s25+$0x0] =	vst.idx.msk $0xffff, v10;
	v12 =	vld [tilespmem:s23+$0xFFFFFF80]  }
0xb1: {  	v13 =	vor.u32 s1, v1;
	s0 =	sor.u32 s0, s6;
	[tilespmem:v15+s25+$0x0] =	vst.idx.msk $0xffff, v16;
	v9 =	vld [tilespmem:s23+$0xFFFFFFA0]  }
0xb2: {  	v4 =	vor.u32 s17, v1;
	v5 =	vor.u32 s0, v0;
	[tilespmem:v11+s25+$0x0] =	vst.idx.msk $0xffff, v7;
	v8 =	vld [tilespmem:s23+$0xFFFFFFC0]  }
0xb3: {  	s29 =	simm.s32 $0x40;
	s1 =	simm.s32 $0x85F0;
	s26 =	sor.u32 $0x1, s10;
	v10 =	vor.u32 s16, v1;
	v11 =	vor.u32 s12, v1;
	[tilespmem:v17+s25+$0x0] =	vst.idx.msk $0xffff, v18;
	v7 =	vld [tilespmem:s23+$0xFFFFFF40]  }
.LBB2_5:
0xb4: {  	s6 =	sadd.s32 $0x9, s21  }
0xb5: {  	s12 =	sadd.s32 $0xB, s21;
	v15 =	vld [tilespmem:s23+$0xFFFFFF60];
	[tilespmem:v14+s25+$0x0] =	vst.idx.msk $0xffff, v6;
	s17 =	smov.u32 s21;
	s21 =	sadd.s32 $0x8, s21  }
0xb6: {  	s19 =	sand.u32 $0x400, s29;
	v6 =	vor.u32 s13, v1;
	s12 =	sand.u32 $0x7B, s12;
	s24 =	sadd.s32 $0xC, s17;
	[tilespmem:v13+s25+$0x0] =	vst.idx.msk $0xffff, v12;
	v12 =	vld [tilespmem:s23+$0x0]  }
0xb7: {  	v14 =	vor.u32 s22, v1;
	v16 =	vor.u32 s0, v1;
	s6 =	sand.u32 $0x79, s6;
	s13 =	sadd.s32 $0xE, s17;
	v13 =	vld [tilespmem:s1+$0xFFFFFF10];
	s12 =	sor.u32 s12, s19;
	[tilespmem:v5+s25+$0x0] =	vst.idx.msk $0xffff, v2  }
0xb8: {  	v18 =	vor.u32 s28, v1;
	s0 =	sand.u32 $0x78, s21;
	s16 =	sor.u32 s6, s19;
	s6 =	sadd.s32 $0xD, s17;
	v17 =	vor.u32 s12, v0;
	[tilespmem:v11+s25+$0x0] =	vst.idx.msk $0xffff, v9;
	v9 =	vld [tilespmem:s23+$0xFFFFFFE0]  }
0xb9: {  	s22 =	sor.u32 s0, s19;
	v11 =	vor.u32 s16, v0;
	s0 =	sand.u32 $0x7D, s6;
	s6 =	sadd.s32 $0xF, s17;
	v19 =	vld [tilespmem:s1+$0xFFFFFF30];
	[tilespmem:v10+s25+$0x0] =	vst.idx.msk $0xffff, v7  }
0xba: {  	s13 =	sand.u32 $0x7E, s13;
	s23 =	sand.u32 $0x7C, s24;
	v7 =	vor.u32 s22, v0;
	s6 =	sand.u32 $0x7F, s6;
	v2 =	vld [tilespmem:s1+$0xFFFFFFD0];
	[tilespmem:v4+s25+$0x0] =	vst.idx.msk $0xffff, v8  }
0xbb: {  	s24 =	sor.u32 s23, s19;
	s23 =	sor.u32 s0, s19;
	s0 =	sor.u32 s13, s19;
	v8 =	vld [tilespmem:s1+$0xFFFFFF70];
	[tilespmem:v6+s25+$0x0] =	vst.idx.msk $0xffff, v12  }
0xbc: {  	p2 =	slt.u32 s21, $0xF8;
	s17 =	sadd.s32 $0xA, s17;
	v10 =	vor.u32 s24, v0;
	v21 =	vor.u32 s23, v0;
	v4 =	vor.u32 s23, v1;
	s13 =	sor.u32 s6, s19;
	v20 =	vld [tilespmem:s1+$0xFFFFFF90];
	[tilespmem:v14+s25+$0x0] =	vst.idx.msk $0xffff, v3  }
0xbd: {  	s6 =	sand.u32 $0x7A, s17;
	v5 =	vor.u32 s0, v0;
	s23 =	smov.u32 s1;
	v6 =	vld [tilespmem:s1+$0xFFFFFFF0];
	[tilespmem:v16+s25+$0x0] =	vst.idx.msk $0xffff, v9  }
0xbe: {  	s28 =	sor.u32 s6, s19;
	v16 =	vld [tilespmem:s1+$0xFFFFFFB0];
	[tilespmem:v18+s25+$0x0] =	vst.idx.msk $0xffff, v15  }
0xbf: {  	v15 =	vor.u32 s28, v0;
	[tilespmem:v7+s25+$0x0] =	vst.idx.msk $0xffff, v13;
	v18 =	vld [tilespmem:s1+$0xFFFFFF50]  }
.Ltmp3:
0xc0: {  	v14 =	vor.u32 s13, v0;
	v3 =	vld [tilespmem:s1+$0xFFFFFF20];
	[tilespmem:v17+s25+$0x0] =	vst.idx.msk $0xffff, v8;
	(pc) =	sbr.rel @p2 .LBB2_5-.Ltmp3, $4  }
0xc1: {  	v13 =	vor.u32 s12, v1;
	v12 =	vld [tilespmem:s1+$0xFFFFFF80];
	[tilespmem:v10+s25+$0x0] =	vst.idx.msk $0xffff, v20  }
0xc2: {  	[tilespmem:v11+s25+$0x0] =	vst.idx.msk $0xffff, v19;
	v9 =	vld [tilespmem:s1+$0xFFFFFFA0]  }
0xc3: {  	v11 =	vor.u32 s24, v1;
	v7 =	vld [tilespmem:s1+$0xFFFFFF40];
	[tilespmem:v21+s25+$0x0] =	vst.idx.msk $0xffff, v16  }
0xc4: {  	s29 =	sadd.s32 $0x40, s29;
	v10 =	vor.u32 s16, v1;
	s1 =	sadd.s32 $0x100, s1;
	[tilespmem:v15+s25+$0x0] =	vst.idx.msk $0xffff, v18;
	v8 =	vld [tilespmem:s23+$0xFFFFFFC0]  }
0xc5: {  	_ =	sdelay $0x3  }
0xc6: {  	[tilespmem:v14+s25+$0x0] =	vst.idx.msk $0xffff, v6  }
0xc7: {  	v6 =	vor.u32 s13, v1;
	[tilespmem:v13+s25+$0x0] =	vst.idx.msk $0xffff, v12;
	v12 =	vld [tilespmem:s23+$0x0]  }
0xc8: {  	[tilespmem:v5+s25+$0x0] =	vst.idx.msk $0xffff, v2;
	v13 =	vor.u32 s22, v1  }
0xc9: {  	v2 =	vor.u32 s0, v1;
	v5 =	vld [tilespmem:s23+$0xFFFFFFE0];
	[tilespmem:v11+s25+$0x0] =	vst.idx.msk $0xffff, v9  }
0xca: {  	v9 =	vld [tilespmem:s23+$0xFFFFFF60];
	v11 =	vor.u32 s28, v1;
	[tilespmem:v10+s25+$0x0] =	vst.idx.msk $0xffff, v7  }
0xcb: {  	s22 =	sadd.s32 s5, s26;
	[tilespmem:v4+s25+$0x0] =	vst.idx.msk $0xffff, v8  }
0xcc: {  	s1 =	sshll.u32 s22, $0x8;
	s0 =	sshll.u32 s22, $0xA;
	[tilespmem:v6+s25+$0x0] =	vst.idx.msk $0xffff, v12  }
0xcd: {  	s1 =	sand.u32 $0xD00, s1;
	s0 =	sand.u32 $0xFFFC000, s0;
	[tilespmem:v13+s25+$0x0] =	vst.idx.msk $0xffff, v3  }
0xce: {  	s0 =	sor.u32 s1, s0;
	[tilespmem:v2+s25+$0x0] =	vst.idx.msk $0xffff, v5  }
0xcf: {  	s1 =	sadd.s32 s2, s0;
	[tilespmem:v11+s25+$0x0] =	vst.idx.msk $0xffff, v9  }
0xd0: {  	[hbm4b:s1+s3] =	stream.linear.scatter [tilespmem:s25], [sflag:$0x7], $0x800, $0x38;
	[tilespmem:$0x16400] =	vst v63  }
0xd1: {  	s6 =	simm.s32 $0x10C00;
	s23 =	sadd.s32 s0, s7  }
0xd2: {  	[hbm4b:s23+s3] =	stream.linear.scatter [tilespmem:s6], [sflag:$0x7], $0x800, $0x38;
	[tilespmem:$0x16400] =	vst v63  }
0xd3: {  	s26 =	simm.s32 $0x11400;
	s24 =	sadd.s32 s0, s8  }
0xd4: {  	[hbm4b:s24+s3] =	stream.linear.scatter [tilespmem:s26], [sflag:$0x7], $0x800, $0x38;
	[tilespmem:$0x16400] =	vst v63  }
0xd5: {  	s0 =	sadd.s32 s0, s9;
	s6 =	simm.s32 $0x11C00  }
0xd6: {  	[hbm4b:s0+s3] =	stream.linear.scatter [tilespmem:s6], [sflag:$0x7], $0x800, $0x38;
	[tilespmem:$0x16400] =	vst v63  }
0xd7: {  	s1 =	simm.s32 @!p1 $0x100;
	s0 =	sadd.s32 @!p1 $0x500, s18;
	s6 =	simm.s32 @!p1 $0x8400  }
0xd8: {  	[tilespmem:s6], [sflag:$0x3] =	stream.indirect.gather @!p1 [hbm4b:s4+s1], $0x20, s0, s1, $0xb8;
	[tilespmem:$0x16400] =	vst v63  }
0xd9: {  	_ =	swait.ge [sflag:s30], $0x2000  }
0xda: {  	[sflag:s30] =	ssyncset.done $0x0  }
0xdb: {  	s0 =	simm.s32 @!p0 $0x8;
	[sflag:s30] =	ssyncadd.s32 $0xFFFFE000  }
0xdc: {  	_ =	swait.ge @!p0 [sflag:s0], $0x800  }
0xdd: {  	[sflag:s0] =	ssyncset.done @!p0 $0x0  }
0xde: {  	[sflag:s0] =	ssyncadd.s32 @!p0 $0xFFFFF800  }
0xdf: {  	_ =	swait.ge @!p0 [sflag:s0], $0x800  }
0xe0: {  	[sflag:s0] =	ssyncset.done @!p0 $0x0  }
0xe1: {  	[sflag:s0] =	ssyncadd.s32 @!p0 $0xFFFFF800  }
0xe2: {  	_ =	swait.ge @!p0 [sflag:s0], $0x800  }
0xe3: {  	[sflag:s0] =	ssyncset.done @!p0 $0x0  }
0xe4: {  	[sflag:s0] =	ssyncadd.s32 @!p0 $0xFFFFF800  }
0xe5: {  	_ =	swait.ge @!p0 [sflag:s0], $0x800  }
0xe6: {  	s12 =	simm.s32 $0x0;
	[sflag:s0] =	ssyncset.done @!p0 $0x0  }
0xe7: {  	s21 =	simm.s32 $0x0;
	s23 =	simm.s32 $0xA4F0;
	[sflag:s0] =	ssyncadd.s32 @!p0 $0xFFFFF800  }
0xe8: {  	s13 =	simm.s32 $0x3;
	s16 =	sand.u32 $0x78, s21;
	s6 =	sand.u32 $0x400, s12;
	v3 =	vld [tilespmem:s23+$0xFFFFFF10]  }
0xe9: {  	s1 =	sand.u32 $0x7B, s13;
	s12 =	simm.s32 $0x4;
	s22 =	sor.u32 s16, s6;
	v7 =	vld [tilespmem:s23+$0xFFFFFF30]  }
0xea: {  	s19 =	simm.s32 $0x5;
	s1 =	sor.u32 s1, s6;
	s12 =	sand.u32 $0x7C, s12;
	v4 =	vor.u32 s22, v0;
	v2 =	vld [tilespmem:s23+$0xFFFFFFD0]  }
0xeb: {  	s17 =	simm.s32 $0x1;
	s24 =	sand.u32 $0x7D, s19;
	v5 =	vor.u32 s1, v0;
	s12 =	sor.u32 s12, s6;
	v8 =	vld [tilespmem:s23+$0xFFFFFF70]  }
0xec: {  	s26 =	simm.s32 $0x2;
	v9 =	vor.u32 s12, v0;
	s0 =	sand.u32 $0x79, s17;
	s17 =	sor.u32 s24, s6;
	v10 =	vld [tilespmem:s23+$0xFFFFFF90]  }
0xed: {  	s19 =	sand.u32 $0x7A, s26;
	s16 =	sor.u32 s0, s6;
	v15 =	vor.u32 s17, v0;
	v16 =	vld [tilespmem:s23+$0xFFFFFFB0]  }
0xee: {  	s26 =	simm.s32 $0x7;
	s28 =	sor.u32 s19, s6;
	v6 =	vld [tilespmem:s23+$0xFFFFFFF0];
	v11 =	vor.u32 s16, v0  }
0xef: {  	s13 =	sand.u32 $0x7F, s26;
	v17 =	vor.u32 s28, v0;
	v18 =	vld [tilespmem:s23+$0xFFFFFF50];
	[tilespmem:v4+s31+$0x0] =	vst.idx.msk $0xffff, v3  }
0xf0: {  	s13 =	sor.u32 s13, s6;
	s24 =	simm.s32 $0x6;
	[tilespmem:v5+s31+$0x0] =	vst.idx.msk $0xffff, v8;
	v3 =	vld [tilespmem:s23+$0xFFFFFF20]  }
0xf1: {  	v14 =	vor.u32 s13, v0;
	s0 =	sand.u32 $0x7E, s24;
	[tilespmem:v9+s31+$0x0] =	vst.idx.msk $0xffff, v10;
	v12 =	vld [tilespmem:s23+$0xFFFFFF80]  }
0xf2: {  	v13 =	vor.u32 s1, v1;
	s0 =	sor.u32 s0, s6;
	[tilespmem:v15+s31+$0x0] =	vst.idx.msk $0xffff, v16;
	v9 =	vld [tilespmem:s23+$0xFFFFFFA0]  }
0xf3: {  	v4 =	vor.u32 s17, v1;
	v5 =	vor.u32 s0, v0;
	[tilespmem:v11+s31+$0x0] =	vst.idx.msk $0xffff, v7;
	v8 =	vld [tilespmem:s23+$0xFFFFFFC0]  }
0xf4: {  	s29 =	simm.s32 $0xA5F0;
	s26 =	sor.u32 $0x2, s10;
	s1 =	simm.s32 $0x40;
	v10 =	vor.u32 s16, v1;
	[tilespmem:v17+s31+$0x0] =	vst.idx.msk $0xffff, v18;
	v11 =	vor.u32 s12, v1;
	v7 =	vld [tilespmem:s23+$0xFFFFFF40]  }
.LBB2_7:
0xf5: {  	s6 =	sadd.s32 $0x9, s21  }
0xf6: {  	s12 =	sadd.s32 $0xB, s21;
	v15 =	vld [tilespmem:s23+$0xFFFFFF60];
	[tilespmem:v14+s31+$0x0] =	vst.idx.msk $0xffff, v6;
	s17 =	smov.u32 s21;
	s21 =	sadd.s32 $0x8, s21  }
0xf7: {  	s19 =	sand.u32 $0x400, s1;
	v6 =	vor.u32 s13, v1;
	s12 =	sand.u32 $0x7B, s12;
	s24 =	sadd.s32 $0xC, s17;
	[tilespmem:v13+s31+$0x0] =	vst.idx.msk $0xffff, v12;
	v12 =	vld [tilespmem:s23+$0x0]  }
0xf8: {  	v14 =	vor.u32 s22, v1;
	v16 =	vor.u32 s0, v1;
	s6 =	sand.u32 $0x79, s6;
	s13 =	sadd.s32 $0xE, s17;
	v13 =	vld [tilespmem:s29+$0xFFFFFF10];
	s12 =	sor.u32 s12, s19;
	[tilespmem:v5+s31+$0x0] =	vst.idx.msk $0xffff, v2  }
0xf9: {  	v18 =	vor.u32 s28, v1;
	s0 =	sand.u32 $0x78, s21;
	s16 =	sor.u32 s6, s19;
	s6 =	sadd.s32 $0xD, s17;
	v17 =	vor.u32 s12, v0;
	[tilespmem:v11+s31+$0x0] =	vst.idx.msk $0xffff, v9;
	v9 =	vld [tilespmem:s23+$0xFFFFFFE0]  }
0xfa: {  	s22 =	sor.u32 s0, s19;
	v11 =	vor.u32 s16, v0;
	s0 =	sand.u32 $0x7D, s6;
	s6 =	sadd.s32 $0xF, s17;
	v19 =	vld [tilespmem:s29+$0xFFFFFF30];
	[tilespmem:v10+s31+$0x0] =	vst.idx.msk $0xffff, v7  }
0xfb: {  	s13 =	sand.u32 $0x7E, s13;
	s23 =	sand.u32 $0x7C, s24;
	v7 =	vor.u32 s22, v0;
	s6 =	sand.u32 $0x7F, s6;
	v2 =	vld [tilespmem:s29+$0xFFFFFFD0];
	[tilespmem:v4+s31+$0x0] =	vst.idx.msk $0xffff, v8  }
0xfc: {  	s24 =	sor.u32 s23, s19;
	s23 =	sor.u32 s0, s19;
	s0 =	sor.u32 s13, s19;
	v8 =	vld [tilespmem:s29+$0xFFFFFF70];
	[tilespmem:v6+s31+$0x0] =	vst.idx.msk $0xffff, v12  }
0xfd: {  	p2 =	slt.u32 s21, $0xF8;
	s17 =	sadd.s32 $0xA, s17;
	v10 =	vor.u32 s24, v0;
	v21 =	vor.u32 s23, v0;
	v4 =	vor.u32 s23, v1;
	s13 =	sor.u32 s6, s19;
	v20 =	vld [tilespmem:s29+$0xFFFFFF90];
	[tilespmem:v14+s31+$0x0] =	vst.idx.msk $0xffff, v3  }
0xfe: {  	s6 =	sand.u32 $0x7A, s17;
	v5 =	vor.u32 s0, v0;
	s23 =	smov.u32 s29;
	v6 =	vld [tilespmem:s29+$0xFFFFFFF0];
	[tilespmem:v16+s31+$0x0] =	vst.idx.msk $0xffff, v9  }
0xff: {  	s28 =	sor.u32 s6, s19;
	v16 =	vld [tilespmem:s29+$0xFFFFFFB0];
	[tilespmem:v18+s31+$0x0] =	vst.idx.msk $0xffff, v15  }
0x100: {  	v15 =	vor.u32 s28, v0;
	[tilespmem:v7+s31+$0x0] =	vst.idx.msk $0xffff, v13;
	v18 =	vld [tilespmem:s29+$0xFFFFFF50]  }
.Ltmp4:
0x101: {  	v14 =	vor.u32 s13, v0;
	v3 =	vld [tilespmem:s29+$0xFFFFFF20];
	[tilespmem:v17+s31+$0x0] =	vst.idx.msk $0xffff, v8;
	(pc) =	sbr.rel @p2 .LBB2_7-.Ltmp4, $4  }
0x102: {  	v13 =	vor.u32 s12, v1;
	v12 =	vld [tilespmem:s29+$0xFFFFFF80];
	[tilespmem:v10+s31+$0x0] =	vst.idx.msk $0xffff, v20  }
0x103: {  	[tilespmem:v11+s31+$0x0] =	vst.idx.msk $0xffff, v19;
	v9 =	vld [tilespmem:s29+$0xFFFFFFA0]  }
0x104: {  	v11 =	vor.u32 s24, v1;
	v7 =	vld [tilespmem:s29+$0xFFFFFF40];
	[tilespmem:v21+s31+$0x0] =	vst.idx.msk $0xffff, v16  }
0x105: {  	s1 =	sadd.s32 $0x40, s1;
	v10 =	vor.u32 s16, v1;
	s29 =	sadd.s32 $0x100, s29;
	[tilespmem:v15+s31+$0x0] =	vst.idx.msk $0xffff, v18;
	v8 =	vld [tilespmem:s23+$0xFFFFFFC0]  }
0x106: {  	_ =	sdelay $0x3  }
0x107: {  	[tilespmem:v14+s31+$0x0] =	vst.idx.msk $0xffff, v6  }
0x108: {  	v6 =	vor.u32 s13, v1;
	[tilespmem:v13+s31+$0x0] =	vst.idx.msk $0xffff, v12;
	v12 =	vld [tilespmem:s23+$0x0]  }
0x109: {  	[tilespmem:v5+s31+$0x0] =	vst.idx.msk $0xffff, v2;
	v13 =	vor.u32 s22, v1  }
0x10a: {  	v2 =	vor.u32 s0, v1;
	v5 =	vld [tilespmem:s23+$0xFFFFFFE0];
	[tilespmem:v11+s31+$0x0] =	vst.idx.msk $0xffff, v9  }
0x10b: {  	v9 =	vld [tilespmem:s23+$0xFFFFFF60];
	v11 =	vor.u32 s28, v1;
	[tilespmem:v10+s31+$0x0] =	vst.idx.msk $0xffff, v7  }
0x10c: {  	s24 =	sadd.s32 s5, s26;
	[tilespmem:v4+s31+$0x0] =	vst.idx.msk $0xffff, v8  }
0x10d: {  	s1 =	sshll.u32 s24, $0x8;
	s0 =	sshll.u32 s24, $0xA;
	[tilespmem:v6+s31+$0x0] =	vst.idx.msk $0xffff, v12  }
0x10e: {  	s1 =	sand.u32 $0xE00, s1;
	s0 =	sand.u32 $0xFFFC000, s0;
	[tilespmem:v13+s31+$0x0] =	vst.idx.msk $0xffff, v3  }
0x10f: {  	s0 =	sor.u32 s1, s0;
	[tilespmem:v2+s31+$0x0] =	vst.idx.msk $0xffff, v5  }
0x110: {  	s1 =	sadd.s32 s2, s0;
	[tilespmem:v11+s31+$0x0] =	vst.idx.msk $0xffff, v9  }
0x111: {  	[hbm4b:s1+s3] =	stream.linear.scatter [tilespmem:s31], [sflag:$0x8], $0x800, $0x38;
	[tilespmem:$0x16400] =	vst v63  }
0x112: {  	s6 =	simm.s32 $0x12C00;
	s26 =	sadd.s32 s0, s7  }
0x113: {  	[hbm4b:s26+s3] =	stream.linear.scatter [tilespmem:s6], [sflag:$0x8], $0x800, $0x38;
	[tilespmem:$0x16400] =	vst v63  }
0x114: {  	s29 =	simm.s32 $0x13400;
	s28 =	sadd.s32 s0, s8  }
0x115: {  	[hbm4b:s28+s3] =	stream.linear.scatter [tilespmem:s29], [sflag:$0x8], $0x800, $0x38;
	[tilespmem:$0x16400] =	vst v63  }
0x116: {  	s0 =	sadd.s32 s0, s9;
	s6 =	simm.s32 $0x13C00  }
0x117: {  	[hbm4b:s0+s3] =	stream.linear.scatter [tilespmem:s6], [sflag:$0x8], $0x800, $0x38;
	[tilespmem:$0x16400] =	vst v63  }
0x118: {  	s1 =	simm.s32 @!p1 $0x100;
	s0 =	sadd.s32 @!p1 $0x600, s18;
	s6 =	simm.s32 @!p1 $0xA400  }
0x119: {  	[tilespmem:s6], [sflag:$0x4] =	stream.indirect.gather @!p1 [hbm4b:s4+s1], $0x20, s0, s1, $0xb8;
	[tilespmem:$0x16400] =	vst v63  }
0x11a: {  	_ =	swait.ge [sflag:s14], $0x2000  }
0x11b: {  	[sflag:s14] =	ssyncset.done $0x0  }
0x11c: {  	s0 =	simm.s32 @!p0 $0x9;
	[sflag:s14] =	ssyncadd.s32 $0xFFFFE000  }
0x11d: {  	_ =	swait.ge @!p0 [sflag:s0], $0x800  }
0x11e: {  	[sflag:s0] =	ssyncset.done @!p0 $0x0  }
0x11f: {  	[sflag:s0] =	ssyncadd.s32 @!p0 $0xFFFFF800  }
0x120: {  	_ =	swait.ge @!p0 [sflag:s0], $0x800  }
0x121: {  	[sflag:s0] =	ssyncset.done @!p0 $0x0  }
0x122: {  	[sflag:s0] =	ssyncadd.s32 @!p0 $0xFFFFF800  }
0x123: {  	_ =	swait.ge @!p0 [sflag:s0], $0x800  }
0x124: {  	[sflag:s0] =	ssyncset.done @!p0 $0x0  }
0x125: {  	[sflag:s0] =	ssyncadd.s32 @!p0 $0xFFFFF800  }
0x126: {  	_ =	swait.ge @!p0 [sflag:s0], $0x800  }
0x127: {  	s12 =	simm.s32 $0x0;
	[sflag:s0] =	ssyncset.done @!p0 $0x0  }
0x128: {  	s22 =	simm.s32 $0xC4F0;
	s18 =	simm.s32 $0x0;
	[sflag:s0] =	ssyncadd.s32 @!p0 $0xFFFFF800  }
0x129: {  	s13 =	simm.s32 $0x3;
	s16 =	sand.u32 $0x78, s18;
	s6 =	sand.u32 $0x400, s12;
	v3 =	vld [tilespmem:s22+$0xFFFFFF10]  }
0x12a: {  	s1 =	sand.u32 $0x7B, s13;
	s12 =	simm.s32 $0x4;
	s21 =	sor.u32 s16, s6;
	v7 =	vld [tilespmem:s22+$0xFFFFFF30]  }
0x12b: {  	s19 =	simm.s32 $0x5;
	s1 =	sor.u32 s1, s6;
	s12 =	sand.u32 $0x7C, s12;
	v4 =	vor.u32 s21, v0;
	v2 =	vld [tilespmem:s22+$0xFFFFFFD0]  }
0x12c: {  	s17 =	simm.s32 $0x1;
	s23 =	sand.u32 $0x7D, s19;
	v5 =	vor.u32 s1, v0;
	s12 =	sor.u32 s12, s6;
	v8 =	vld [tilespmem:s22+$0xFFFFFF70]  }
0x12d: {  	s24 =	simm.s32 $0x2;
	v9 =	vor.u32 s12, v0;
	s0 =	sand.u32 $0x79, s17;
	s17 =	sor.u32 s23, s6;
	v10 =	vld [tilespmem:s22+$0xFFFFFF90]  }
0x12e: {  	s26 =	sand.u32 $0x7A, s24;
	s16 =	sor.u32 s0, s6;
	v15 =	vor.u32 s17, v0;
	v16 =	vld [tilespmem:s22+$0xFFFFFFB0]  }
0x12f: {  	s29 =	simm.s32 $0x7;
	s23 =	sor.u32 s26, s6;
	v6 =	vld [tilespmem:s22+$0xFFFFFFF0];
	v11 =	vor.u32 s16, v0  }
0x130: {  	s13 =	sand.u32 $0x7F, s29;
	v17 =	vor.u32 s23, v0;
	v18 =	vld [tilespmem:s22+$0xFFFFFF50];
	[tilespmem:v4+s15+$0x0] =	vst.idx.msk $0xffff, v3  }
0x131: {  	s28 =	simm.s32 $0x6;
	s13 =	sor.u32 s13, s6;
	[tilespmem:v5+s15+$0x0] =	vst.idx.msk $0xffff, v8;
	v3 =	vld [tilespmem:s22+$0xFFFFFF20]  }
0x132: {  	v14 =	vor.u32 s13, v0;
	s0 =	sand.u32 $0x7E, s28;
	[tilespmem:v9+s15+$0x0] =	vst.idx.msk $0xffff, v10;
	v12 =	vld [tilespmem:s22+$0xFFFFFF80]  }
0x133: {  	v13 =	vor.u32 s1, v1;
	s0 =	sor.u32 s0, s6;
	[tilespmem:v15+s15+$0x0] =	vst.idx.msk $0xffff, v16;
	v9 =	vld [tilespmem:s22+$0xFFFFFFA0]  }
0x134: {  	v4 =	vor.u32 s17, v1;
	v5 =	vor.u32 s0, v0;
	[tilespmem:v11+s15+$0x0] =	vst.idx.msk $0xffff, v7;
	v8 =	vld [tilespmem:s22+$0xFFFFFFC0]  }
0x135: {  	s10 =	sor.u32 $0x3, s10;
	s1 =	simm.s32 $0x40;
	s26 =	simm.s32 $0xC5F0;
	v10 =	vor.u32 s16, v1;
	[tilespmem:v17+s15+$0x0] =	vst.idx.msk $0xffff, v18;
	v11 =	vor.u32 s12, v1;
	v7 =	vld [tilespmem:s22+$0xFFFFFF40]  }
.LBB2_9:
0x136: {  	s6 =	sadd.s32 $0x9, s18  }
0x137: {  	s12 =	sadd.s32 $0xB, s18;
	v15 =	vld [tilespmem:s22+$0xFFFFFF60];
	[tilespmem:v14+s15+$0x0] =	vst.idx.msk $0xffff, v6;
	s17 =	smov.u32 s18;
	s18 =	sadd.s32 $0x8, s18  }
0x138: {  	s19 =	sand.u32 $0x400, s1;
	v6 =	vor.u32 s13, v1;
	s12 =	sand.u32 $0x7B, s12;
	s24 =	sadd.s32 $0xC, s17;
	[tilespmem:v13+s15+$0x0] =	vst.idx.msk $0xffff, v12;
	v12 =	vld [tilespmem:s22+$0x0]  }
0x139: {  	v14 =	vor.u32 s21, v1;
	v16 =	vor.u32 s0, v1;
	s6 =	sand.u32 $0x79, s6;
	s13 =	sadd.s32 $0xE, s17;
	v13 =	vld [tilespmem:s26+$0xFFFFFF10];
	s12 =	sor.u32 s12, s19;
	[tilespmem:v5+s15+$0x0] =	vst.idx.msk $0xffff, v2  }
0x13a: {  	v18 =	vor.u32 s23, v1;
	s0 =	sand.u32 $0x78, s18;
	s16 =	sor.u32 s6, s19;
	s6 =	sadd.s32 $0xD, s17;
	v17 =	vor.u32 s12, v0;
	[tilespmem:v11+s15+$0x0] =	vst.idx.msk $0xffff, v9;
	v9 =	vld [tilespmem:s22+$0xFFFFFFE0]  }
0x13b: {  	s21 =	sor.u32 s0, s19;
	v11 =	vor.u32 s16, v0;
	s0 =	sand.u32 $0x7D, s6;
	s6 =	sadd.s32 $0xF, s17;
	v19 =	vld [tilespmem:s26+$0xFFFFFF30];
	[tilespmem:v10+s15+$0x0] =	vst.idx.msk $0xffff, v7  }
0x13c: {  	s13 =	sand.u32 $0x7E, s13;
	s22 =	sand.u32 $0x7C, s24;
	v7 =	vor.u32 s21, v0;
	s6 =	sand.u32 $0x7F, s6;
	v2 =	vld [tilespmem:s26+$0xFFFFFFD0];
	[tilespmem:v4+s15+$0x0] =	vst.idx.msk $0xffff, v8  }
0x13d: {  	s24 =	sor.u32 s22, s19;
	s22 =	sor.u32 s0, s19;
	s0 =	sor.u32 s13, s19;
	v8 =	vld [tilespmem:s26+$0xFFFFFF70];
	[tilespmem:v6+s15+$0x0] =	vst.idx.msk $0xffff, v12  }
0x13e: {  	p0 =	slt.u32 s18, $0xF8;
	s17 =	sadd.s32 $0xA, s17;
	v10 =	vor.u32 s24, v0;
	v21 =	vor.u32 s22, v0;
	v4 =	vor.u32 s22, v1;
	s13 =	sor.u32 s6, s19;
	v20 =	vld [tilespmem:s26+$0xFFFFFF90];
	[tilespmem:v14+s15+$0x0] =	vst.idx.msk $0xffff, v3  }
0x13f: {  	s6 =	sand.u32 $0x7A, s17;
	v5 =	vor.u32 s0, v0;
	s22 =	smov.u32 s26;
	v6 =	vld [tilespmem:s26+$0xFFFFFFF0];
	[tilespmem:v16+s15+$0x0] =	vst.idx.msk $0xffff, v9  }
0x140: {  	s23 =	sor.u32 s6, s19;
	v16 =	vld [tilespmem:s26+$0xFFFFFFB0];
	[tilespmem:v18+s15+$0x0] =	vst.idx.msk $0xffff, v15  }
0x141: {  	v15 =	vor.u32 s23, v0;
	[tilespmem:v7+s15+$0x0] =	vst.idx.msk $0xffff, v13;
	v18 =	vld [tilespmem:s26+$0xFFFFFF50]  }
.Ltmp5:
0x142: {  	v14 =	vor.u32 s13, v0;
	v3 =	vld [tilespmem:s26+$0xFFFFFF20];
	[tilespmem:v17+s15+$0x0] =	vst.idx.msk $0xffff, v8;
	(pc) =	sbr.rel @p0 .LBB2_9-.Ltmp5, $4  }
0x143: {  	v13 =	vor.u32 s12, v1;
	v12 =	vld [tilespmem:s26+$0xFFFFFF80];
	[tilespmem:v10+s15+$0x0] =	vst.idx.msk $0xffff, v20  }
0x144: {  	[tilespmem:v11+s15+$0x0] =	vst.idx.msk $0xffff, v19;
	v9 =	vld [tilespmem:s26+$0xFFFFFFA0]  }
0x145: {  	v11 =	vor.u32 s24, v1;
	v7 =	vld [tilespmem:s26+$0xFFFFFF40];
	[tilespmem:v21+s15+$0x0] =	vst.idx.msk $0xffff, v16  }
0x146: {  	s1 =	sadd.s32 $0x40, s1;
	v10 =	vor.u32 s16, v1;
	s26 =	sadd.s32 $0x100, s26;
	[tilespmem:v15+s15+$0x0] =	vst.idx.msk $0xffff, v18;
	v8 =	vld [tilespmem:s22+$0xFFFFFFC0]  }
0x147: {  	_ =	sdelay $0x3  }
0x148: {  	[tilespmem:v14+s15+$0x0] =	vst.idx.msk $0xffff, v6  }
0x149: {  	v61 =	vor.u32 s21, v1;
	[tilespmem:v5+s15+$0x0] =	vst.idx.msk $0xffff, v2  }
0x14a: {  	v62 =	vld [tilespmem:s22+$0xFFFFFF60];
	v63 =	vor.u32 s23, v1;
	[tilespmem:v13+s15+$0x0] =	vst.idx.msk $0xffff, v12  }
0x14b: {  	v59 =	vor.u32 s13, v1;
	v60 =	vld [tilespmem:s22+$0x0];
	[tilespmem:v11+s15+$0x0] =	vst.idx.msk $0xffff, v9  }
0x14c: {  	v2 =	vor.u32 s0, v1;
	v5 =	vld [tilespmem:s22+$0xFFFFFFE0];
	[tilespmem:v10+s15+$0x0] =	vst.idx.msk $0xffff, v7  }
0x14d: {  	s23 =	sadd.s32 s5, s10;
	[tilespmem:v4+s15+$0x0] =	vst.idx.msk $0xffff, v8  }
0x14e: {  	s1 =	sshll.u32 s23, $0x8;
	s0 =	sshll.u32 s23, $0xA;
	[tilespmem:v61+s15+$0x0] =	vst.idx.msk $0xffff, v3  }
0x14f: {  	s1 =	sand.u32 $0xF00, s1;
	s0 =	sand.u32 $0xFFFC000, s0;
	[tilespmem:v63+s15+$0x0] =	vst.idx.msk $0xffff, v62  }
0x150: {  	s0 =	sor.u32 s1, s0;
	[tilespmem:v59+s15+$0x0] =	vst.idx.msk $0xffff, v60  }
0x151: {  	s1 =	sadd.s32 s2, s0;
	[tilespmem:v2+s15+$0x0] =	vst.idx.msk $0xffff, v5  }
0x152: {  	[hbm4b:s1+s3] =	stream.linear.scatter [tilespmem:s15], [sflag:$0x9], $0x800, $0x38;
	[tilespmem:$0x16400] =	vst v63  }
0x153: {  	s6 =	simm.s32 $0x14C00;
	s24 =	sadd.s32 s0, s7  }
0x154: {  	[hbm4b:s24+s3] =	stream.linear.scatter [tilespmem:s6], [sflag:$0x9], $0x800, $0x38;
	[tilespmem:$0x16400] =	vst v63  }
.Ltmp6:
0x155: {  	_ = 	snop;
	(pc) =	sbr.rel @p1 .LBB2_12-.Ltmp6, $4  }
0x156: {  	s28 =	simm.s32 $0x15400;
	s26 =	sadd.s32 s0, s8  }
0x157: {  	[hbm4b:s26+s3] =	stream.linear.scatter [tilespmem:s28], [sflag:$0x9], $0x800, $0x38;
	[tilespmem:$0x16400] =	vst v63  }
0x158: {  	s29 =	simm.s32 $0x15C00;
	s0 =	sadd.s32 s0, s9  }
0x159: {  	[hbm4b:s0+s3] =	stream.linear.scatter [tilespmem:s29], [sflag:$0x9], $0x800, $0x38;
	[tilespmem:$0x16400] =	vst v63  }
.Ltmp7:
0x15a: {  	(pc) =	sbr.rel .LBB2_2-.Ltmp7, $4  }
0x15b: {  	s0 =	sshll.u32 s11, $0xA  }
0x15c: {  	s1 =	simm.s32 $0x100;
	s0 =	sand.u32 $0x3FFFFC00, s0  }
0x15d: {  	s6 =	simm.s32 $0xC400;
	s11 =	sadd.s32 $0x1, s11;
	s0 =	sadd.s32 $0x700, s0  }
0x15e: {  	[tilespmem:s6], [sflag:$0x5] =	stream.indirect.gather [hbm4b:s4+s1], $0x20, s0, s1, $0xb8;
	[tilespmem:$0x16400] =	vst v63  }
.LBB2_13:
0x15f: {  	_ =	sfence.sel $0x180000  }
0x160: {  	[bflag:$0x0] =	sbarrier.arrive $0xFFFF  }
0x161: {  	_ =	strace $0x90000047  }
0x162: {  	s0 =	stileid.u32;
	[bflag:$0x2] =	sbarrier.arrive $0xFFFF  }
0x163: {  	p0 =	sne.s32 s0, $0x0;
	s0 =	rddreg [dreg:$0x2]  }
0x164: {  	s0 =	sadd.s32 @!p0 $0x100000, s0  }
0x165: {  	[sflag:s0] =	ssyncadd.tile.s32 @!p0 $0x1;
	_ =	shalt  }
.Lfunc_end2:
_tile_overlayer_lowered:
.L_overlay_start_2:
0x166: {  	(tag) =	ssettag $0x2  }
0x167: {  	s0 =	rddreg [dreg:$0x0];
	s2 =	stileid.u32  }
0x168: {  	s1 =	rddreg [dreg:$0x1];
	p0 =	sne.s32 s2, $0x0  }
0x169: {  	s3 =	rddreg [dreg:$0x2];
	[bflag:$0x3] =	sbarrier.arrive $0xFFFF;
	s2 =	simm.s32 @!p0 $0x1C0A  }
0x16a: {  	[timem:s3], [sflag:s2] =	dma.local @!p0 [hbm:s0], s1  }
0x16b: {  	s0 =	simm.s32 @!p0 $0xA  }
0x16c: {  	_ =	swait.ge @!p0 [sflag:s0], s1  }
0x16d: {  	s1 =	ssub.s32 @!p0 $0x0, s1;
	[sflag:s0] =	ssyncset.done @!p0 $0x0  }
0x16e: {  	[sflag:s0] =	ssyncadd.s32 @!p0 s1  }
0x16f: {  	[bflag:$0x3] =	sbarrier.arrive $0xFFFF  }
0x170: {  	_ =	shalt  }

</sc_bundles>
